<compile_context>
chip_gen: v7x
topology: tpu7x:2x2x1
jax: 0.10.2.dev20260603
libtpu: 0.0.44.dev20260713+nightly
codegen_flags: <defaults>
</compile_context>

<pallas_src>
import functools

import jax
import jax.numpy as jnp
from jax import lax
from jax.experimental import pallas as pl
from jax.experimental.pallas import tpu as pltpu
from jax.experimental.pallas import tpu_sc as plsc

_NC = 2
_NS = 16
_L = 16
_BLK = 128


def _sc_body(n_rows, n_bins, bins_hbm, w_hbm, par_hbm, out_hbm,
             w_blk, bins_blk, out_blk, par_row,
             cdf0, incf0, inci0, carryf0, carryi0, hist0,
             cdf1, incf1, inci1, carryf1, carryi1, hist1,
             sem_w, sem_b, sem_o, sem_u):
    C = n_bins
    NCH = C // _L
    n_workers = _NC * _NS
    rpw = n_rows // n_workers
    wid = lax.axis_index("s") * _NC + lax.axis_index("c")

    pltpu.async_copy(par_hbm, par_row, sem_u).wait()

    lane = lax.iota(jnp.int32, _L)
    idx_last = jnp.minimum(lane, NCH - 1) * _L + (_L - 1)
    mask_tail = lane < (_L - 1)
    ones_f = jnp.full((_L,), 1.0, jnp.float32)
    zeros_f = jnp.full((_L,), 0.0, jnp.float32)
    splat = [jnp.full((_L,), k, jnp.int32) for k in range(1, NCH)]
    splat_tot = jnp.full((_L,), _L + NCH - 1, jnp.int32)

    a_vec = par_row[pl.ds(0, _L)]
    inv_s = par_row[pl.ds(_L, _L)]
    u_off = 2 * _L

    scr0 = (cdf0, incf0, inci0, carryf0, carryi0, hist0)
    scr1 = (cdf1, incf1, inci1, carryf1, carryi1, hist1)

    def process_row(roff, scr):
        cdf_row, incf_row, inci_row, carryf_row, carryi_row, hist_row = scr
        roff_v = jnp.full((_L,), roff, jnp.int32)
        ws = []
        for k in range(NCH - 1):
            ws.append(w_blk[pl.ds(roff + k * _L, _L)] + 1e-05)
        w_t = w_blk[pl.ds(roff + (NCH - 1) * _L, _L)] + 1e-05
        ws.append(jnp.where(mask_tail, w_t, 0.0))
        excs = []
        for k in range(NCH):
            inck = plsc.cumsum(ws[k])
            incf_row[pl.ds(k * _L, _L)] = inck
            excs.append(inck - ws[k])
        tvec = plsc.load_gather(incf_row, [idx_last])
        sum_t = plsc.cumsum(tvec)
        carryf_row[pl.ds(0, _L)] = sum_t - tvec
        carryf_row[pl.ds(_L, _L)] = sum_t
        inv_tot = 1.0 / plsc.load_gather(carryf_row, [splat_tot])

        for t in range(NCH + 1):
            hist_row[pl.ds(t * _L, _L)] = zeros_f
        for k in range(NCH):
            if k == 0:
                carry_k = zeros_f
            else:
                carry_k = plsc.load_gather(carryf_row, [splat[k - 1]])
            cdfk = (excs[k] + carry_k) * inv_tot
            cdf_row[pl.ds(k * _L, _L)] = cdfk
            p = (cdfk - a_vec) * inv_s + 1.0
            kk = jnp.minimum(jnp.maximum(p.astype(jnp.int32), 0), C)
            plsc.addupdate_scatter(hist_row, [kk], ones_f)

        incs_f = []
        for k in range(NCH):
            hk = hist_row[pl.ds(k * _L, _L)]
            incik = plsc.cumsum(hk)
            inci_row[pl.ds(k * _L, _L)] = incik
            incs_f.append(incik)
        tveci = plsc.load_gather(inci_row, [idx_last])
        sum_ti = plsc.cumsum(tveci)
        carryi_row[pl.ds(0, _L)] = sum_ti - tveci

        for k in range(NCH):
            if k == 0:
                carry_ik = zeros_f
            else:
                carry_ik = plsc.load_gather(carryi_row, [splat[k - 1]])
            inds = (incs_f[k] + carry_ik).astype(jnp.int32)
            below = jnp.minimum(jnp.maximum(inds - 1, 0), C - 1)
            above = jnp.minimum(jnp.maximum(inds, 0), C - 1)
            cdf_b = plsc.load_gather(cdf_row, [below])
            cdf_a = plsc.load_gather(cdf_row, [above])
            bins_b = plsc.load_gather(bins_blk, [roff_v + below])
            bins_a = plsc.load_gather(bins_blk, [roff_v + above])
            uk = par_row[pl.ds(u_off + k * _L, _L)]
            denom = cdf_a - cdf_b
            denom = jnp.where(denom < 1e-05, 1.0, denom)
            tt = (uk - cdf_b) / denom
            out_blk[pl.ds(roff + k * _L, _L)] = bins_b + tt * (bins_a - bins_b)

    def block_body(b, carry):
        base = (wid * rpw + b * _BLK) * C
        cw = pltpu.async_copy(w_hbm.at[pl.ds(base, _BLK * C)], w_blk, sem_w)
        cb = pltpu.async_copy(bins_hbm.at[pl.ds(base, _BLK * C)], bins_blk,
                              sem_b)
        cw.wait()
        cb.wait()

        def row_body(r, rcarry):
            roff = r * (2 * C)
            process_row(roff, scr0)
            process_row(roff + C, scr1)
            return rcarry

        lax.fori_loop(0, _BLK // 2, row_body, 0)
        pltpu.async_copy(out_blk, out_hbm.at[pl.ds(base, _BLK * C)],
                         sem_o).wait()
        return carry

    lax.fori_loop(0, rpw // _BLK, block_body, 0)


def kernel(bins, weights, n_samples):
    N, C = bins.shape
    n_static = C
    ns = jnp.asarray(n_samples, jnp.float32)
    start = 0.5 / ns
    step = (1.0 - 1.0 / ns) / (n_static - 1)
    u = start + jnp.arange(n_static, dtype=jnp.float32) * step
    params = jnp.concatenate([
        jnp.full((_L,), start, jnp.float32),
        jnp.full((_L,), 1.0 / step, jnp.float32),
        u,
    ])
    w_pad = jnp.pad(weights, ((0, 0), (0, 1))).reshape(-1)
    bins_1d = bins.reshape(-1)

    mesh = plsc.VectorSubcoreMesh(core_axis_name="c", subcore_axis_name="s",
                                  num_cores=_NC, num_subcores=_NS)
    body = functools.partial(_sc_body, N, C)
    row_scratch = [
        pltpu.VMEM((C,), jnp.float32),
        pltpu.VMEM((C,), jnp.float32),
        pltpu.VMEM((C,), jnp.float32),
        pltpu.VMEM((2 * _L,), jnp.float32),
        pltpu.VMEM((_L,), jnp.float32),
        pltpu.VMEM(((C // _L + 1) * _L,), jnp.float32),
    ]
    f = pl.kernel(
        body,
        out_type=jax.ShapeDtypeStruct((N * C,), jnp.float32),
        mesh=mesh,
        compiler_params=pltpu.CompilerParams(
            needs_layout_passes=False, use_tc_tiling_on_sc=False),
        scratch_types=(
            [
                pltpu.VMEM((_BLK * C,), jnp.float32),
                pltpu.VMEM((_BLK * C,), jnp.float32),
                pltpu.VMEM((_BLK * C,), jnp.float32),
                pltpu.VMEM((2 * _L + C,), jnp.float32),
            ]
            + row_scratch + row_scratch
            + [
                pltpu.SemaphoreType.DMA,
                pltpu.SemaphoreType.DMA,
                pltpu.SemaphoreType.DMA,
                pltpu.SemaphoreType.DMA,
            ]
        ),
    )
    return f(bins_1d, w_pad, params).reshape(N, C)

# --- scband reference (transcript-rebuilt; emitter-appended) ---
"""Pipeline reference for scband-ne-rfrenderer-36266703848188 (READ-ONLY COPY).

The authoritative reference and input builder live on the scoring server;
editing this copy changes nothing except your own understanding.
"""

import jax, jax.numpy as jnp
import numpy as np


def sample_pdf(bins, weights, n_samples):
    weights = weights + 1e-05
    pdf = weights / jnp.sum(weights, -1, keepdims=True)
    cdf = jnp.cumsum(pdf, -1)
    cdf = jnp.concatenate([jnp.zeros_like(cdf[..., :1]), cdf], -1)
    # det=True path (inference: det = not self.training)
    n_static = bins.shape[-1]
    u = jnp.linspace(0.0 + 0.5 / n_samples, 1.0 - 0.5 / n_samples, n_static, dtype=bins.dtype)
    u = jnp.broadcast_to(u, tuple(cdf.shape[:-1]) + (n_static,))
    inds = jax.vmap(lambda c, uu: jnp.searchsorted(c, uu, side='right'))(cdf, u)
    below = jnp.maximum(jnp.zeros_like(inds), inds - 1)
    above = jnp.minimum((cdf.shape[-1] - 1) * jnp.ones_like(inds), inds)
    inds_g = jnp.stack([below, above], -1)
    N = cdf.shape[0]
    C = cdf.shape[-1]
    cdf_exp = jnp.broadcast_to(cdf[:, None, :], (N, n_static, C))
    bins_exp = jnp.broadcast_to(bins[:, None, :], (N, n_static, C))
    cdf_g = jnp.take_along_axis(cdf_exp, inds_g, axis=2)
    bins_g = jnp.take_along_axis(bins_exp, inds_g, axis=2)
    denom = cdf_g[..., 1] - cdf_g[..., 0]
    denom = jnp.where(denom < 1e-05, jnp.ones_like(denom), denom)
    t = (u - cdf_g[..., 0]) / denom
    samples = bins_g[..., 0] + t * (bins_g[..., 1] - bins_g[..., 0])
    return samples


def setup_inputs(seed: int = 0) -> dict:
    key = jax.random.key(seed)
    k1, k2 = jax.random.split(key)
    N = 65536
    B = 128
    # bins: monotonically increasing along last axis (z_vals_mid are sorted depths)
    bins = jnp.arange(N * B, dtype=jnp.float32).reshape(N, B)
    weights = jax.random.uniform(k2, (N, B - 1), dtype=jnp.float32)
    return {"bins": bins, "weights": weights, "n_samples": 128}


def reference(bins, weights, n_samples):
    return sample_pdf(bins, weights, n_samples)

if __name__ == "__main__":
    import jax
    _d = setup_inputs()
    print(jax.jit(kernel)(*tuple(_d.values())))

</pallas_src>

<mosaic_0001>
#map = affine_map<(d0, d1) -> (0)>
module attributes {stable_mosaic.version = 14 : i64} {
  func.func @_sc_body(%arg0: i32, %arg1: i32, %arg2: memref<8388608xf32, #tpu.memory_space<hbm>>, %arg3: memref<8388608xf32, #tpu.memory_space<hbm>>, %arg4: memref<160xf32, #tpu.memory_space<hbm>>, %arg5: memref<8388608xf32, #tpu.memory_space<hbm>>, %arg6: memref<16384xf32, #tpu.memory_space<vmem>>, %arg7: memref<16384xf32, #tpu.memory_space<vmem>>, %arg8: memref<16384xf32, #tpu.memory_space<vmem>>, %arg9: memref<160xf32, #tpu.memory_space<vmem>>, %arg10: memref<128xf32, #tpu.memory_space<vmem>>, %arg11: memref<128xf32, #tpu.memory_space<vmem>>, %arg12: memref<128xf32, #tpu.memory_space<vmem>>, %arg13: memref<32xf32, #tpu.memory_space<vmem>>, %arg14: memref<16xf32, #tpu.memory_space<vmem>>, %arg15: memref<144xf32, #tpu.memory_space<vmem>>, %arg16: memref<128xf32, #tpu.memory_space<vmem>>, %arg17: memref<128xf32, #tpu.memory_space<vmem>>, %arg18: memref<128xf32, #tpu.memory_space<vmem>>, %arg19: memref<32xf32, #tpu.memory_space<vmem>>, %arg20: memref<16xf32, #tpu.memory_space<vmem>>, %arg21: memref<144xf32, #tpu.memory_space<vmem>>, %arg22: memref<!tpu.dma_semaphore, #tpu.memory_space<semaphore_mem>>, %arg23: memref<!tpu.dma_semaphore, #tpu.memory_space<semaphore_mem>>, %arg24: memref<!tpu.dma_semaphore, #tpu.memory_space<semaphore_mem>>, %arg25: memref<!tpu.dma_semaphore, #tpu.memory_space<semaphore_mem>>) attributes {dimension_semantics = [#tpu.dimension_semantics<core_parallel>, #tpu.dimension_semantics<subcore_parallel>], iteration_bounds = array<i64: 2, 16>, scalar_prefetch = 0 : i64, scratch_operands = 20 : i64, tpu.core_type = #tpu.core_type<sc_vector_subcore>, window_params = [{transform_indices = #map}, {transform_indices = #map}, {transform_indices = #map}, {transform_indices = #map}]} {
    %mul3A = arith.constant 2 : i32
    %mul3A_0 = arith.muli %arg1, %mul3A : i32
    %add3A = arith.addi %mul3A_0, %arg0 : i32
    tpu.enqueue_dma source(%arg4 : memref<160xf32, #tpu.memory_space<hbm>>) target(%arg9 : memref<160xf32, #tpu.memory_space<vmem>>) target_semaphore(%arg25 : memref<!tpu.dma_semaphore, #tpu.memory_space<semaphore_mem>>)
    tpu.wait_dma2 semaphore(%arg25 : memref<!tpu.dma_semaphore, #tpu.memory_space<semaphore_mem>>) src(%arg4 : memref<160xf32, #tpu.memory_space<hbm>>) dst(%arg9 : memref<160xf32, #tpu.memory_space<vmem>>)
    %iota3A = tpu.iota {dimensions = array<i32: 0>} : vector<16xi32>
    %min3A = arith.constant 7 : i32
    %min3A_1 = vector.broadcast %min3A : i32 to vector<16xi32>
    %min3A_2 = arith.minsi %iota3A, %min3A_1 : vector<16xi32>
    %mul3A_3 = arith.constant 16 : i32
    %mul3A_4 = vector.broadcast %mul3A_3 : i32 to vector<16xi32>
    %mul3A_5 = arith.muli %min3A_2, %mul3A_4 : vector<16xi32>
    %add3A_6 = arith.constant 15 : i32
    %add3A_7 = vector.broadcast %add3A_6 : i32 to vector<16xi32>
    %add3A_8 = arith.addi %mul3A_5, %add3A_7 : vector<16xi32>
    %lt3A = arith.constant 15 : i32
    %lt3A_9 = vector.broadcast %lt3A : i32 to vector<16xi32>
    %lt3A_10 = arith.cmpi slt, %iota3A, %lt3A_9 : vector<16xi32>
    %broadcast_in_dim3A = arith.constant 1.000000e+00 : f32
    %broadcast_in_dim3A_11 = vector.broadcast %broadcast_in_dim3A : f32 to vector<16xf32>
    %broadcast_in_dim3A_12 = arith.constant 0.000000e+00 : f32
    %broadcast_in_dim3A_13 = vector.broadcast %broadcast_in_dim3A_12 : f32 to vector<16xf32>
    %broadcast_in_dim3A_14 = arith.constant 1 : i32
    %broadcast_in_dim3A_15 = vector.broadcast %broadcast_in_dim3A_14 : i32 to vector<16xi32>
    %broadcast_in_dim3A_16 = arith.constant 2 : i32
    %broadcast_in_dim3A_17 = vector.broadcast %broadcast_in_dim3A_16 : i32 to vector<16xi32>
    %broadcast_in_dim3A_18 = arith.constant 3 : i32
    %broadcast_in_dim3A_19 = vector.broadcast %broadcast_in_dim3A_18 : i32 to vector<16xi32>
    %broadcast_in_dim3A_20 = arith.constant 4 : i32
    %broadcast_in_dim3A_21 = vector.broadcast %broadcast_in_dim3A_20 : i32 to vector<16xi32>
    %broadcast_in_dim3A_22 = arith.constant 5 : i32
    %broadcast_in_dim3A_23 = vector.broadcast %broadcast_in_dim3A_22 : i32 to vector<16xi32>
    %broadcast_in_dim3A_24 = arith.constant 6 : i32
    %broadcast_in_dim3A_25 = vector.broadcast %broadcast_in_dim3A_24 : i32 to vector<16xi32>
    %broadcast_in_dim3A_26 = arith.constant 7 : i32
    %broadcast_in_dim3A_27 = vector.broadcast %broadcast_in_dim3A_26 : i32 to vector<16xi32>
    %broadcast_in_dim3A_28 = arith.constant 23 : i32
    %broadcast_in_dim3A_29 = vector.broadcast %broadcast_in_dim3A_28 : i32 to vector<16xi32>
    %get3A = arith.constant 0 : index
    %get3A_30 = tpu.vector_load %arg9[%get3A] {strides = array<i32>} : memref<160xf32, #tpu.memory_space<vmem>>, vector<16xf32>,
    %get3A_31 = arith.constant 16 : index
    %get3A_32 = tpu.vector_load %arg9[%get3A_31] {strides = array<i32>} : memref<160xf32, #tpu.memory_space<vmem>>, vector<16xf32>,
    %scan3A = arith.constant 0 : i32
    %scan3A_33 = arith.constant 0 : i32
    %scan3A_34 = arith.constant 16 : i32
    %scan3A_35 = arith.addi %scan3A_33, %scan3A_34 : i32
    %scan3A_36 = arith.constant 1 : i32
    scf.for %scan3A_38 = %scan3A_33 to %scan3A_35 step %scan3A_36  : i32 {
      %mul3A_39 = arith.constant 2048 : i32
      %mul3A_40 = arith.muli %add3A, %mul3A_39 : i32
      %mul3A_41 = arith.constant 128 : i32
      %mul3A_42 = arith.muli %scan3A_38, %mul3A_41 : i32
      %add3A_43 = arith.addi %mul3A_40, %mul3A_42 : i32
      %mul3A_44 = arith.constant 128 : i32
      %mul3A_45 = arith.muli %add3A_43, %mul3A_44 : i32
      %dma_start3A = tpu.memref_slice %arg3[%mul3A_45] : memref<8388608xf32, #tpu.memory_space<hbm>> -> memref<16384xf32, #tpu.memory_space<hbm>>
      %dma_start3A_46 = tpu.memref_slice %arg3[%mul3A_45] : memref<8388608xf32, #tpu.memory_space<hbm>> -> memref<16384xf32, #tpu.memory_space<hbm>>
      tpu.enqueue_dma source(%dma_start3A_46 : memref<16384xf32, #tpu.memory_space<hbm>>) target(%arg6 : memref<16384xf32, #tpu.memory_space<vmem>>) target_semaphore(%arg22 : memref<!tpu.dma_semaphore, #tpu.memory_space<semaphore_mem>>)
      %dma_start3A_47 = tpu.memref_slice %arg2[%mul3A_45] : memref<8388608xf32, #tpu.memory_space<hbm>> -> memref<16384xf32, #tpu.memory_space<hbm>>
      %dma_start3A_48 = tpu.memref_slice %arg2[%mul3A_45] : memref<8388608xf32, #tpu.memory_space<hbm>> -> memref<16384xf32, #tpu.memory_space<hbm>>
      tpu.enqueue_dma source(%dma_start3A_48 : memref<16384xf32, #tpu.memory_space<hbm>>) target(%arg7 : memref<16384xf32, #tpu.memory_space<vmem>>) target_semaphore(%arg23 : memref<!tpu.dma_semaphore, #tpu.memory_space<semaphore_mem>>)
      %dma_wait3A = tpu.memref_slice %arg3[%mul3A_45] : memref<8388608xf32, #tpu.memory_space<hbm>> -> memref<16384xf32, #tpu.memory_space<hbm>>
      %dma_wait3A_49 = tpu.memref_slice %arg3[%mul3A_45] : memref<8388608xf32, #tpu.memory_space<hbm>> -> memref<16384xf32, #tpu.memory_space<hbm>>
      tpu.wait_dma2 semaphore(%arg22 : memref<!tpu.dma_semaphore, #tpu.memory_space<semaphore_mem>>) src(%dma_wait3A_49 : memref<16384xf32, #tpu.memory_space<hbm>>) dst(%arg6 : memref<16384xf32, #tpu.memory_space<vmem>>)
      %dma_wait3A_50 = tpu.memref_slice %arg2[%mul3A_45] : memref<8388608xf32, #tpu.memory_space<hbm>> -> memref<16384xf32, #tpu.memory_space<hbm>>
      %dma_wait3A_51 = tpu.memref_slice %arg2[%mul3A_45] : memref<8388608xf32, #tpu.memory_space<hbm>> -> memref<16384xf32, #tpu.memory_space<hbm>>
      tpu.wait_dma2 semaphore(%arg23 : memref<!tpu.dma_semaphore, #tpu.memory_space<semaphore_mem>>) src(%dma_wait3A_51 : memref<16384xf32, #tpu.memory_space<hbm>>) dst(%arg7 : memref<16384xf32, #tpu.memory_space<vmem>>)
      %scan3A_52 = arith.constant 0 : i32
      %scan3A_53 = arith.constant 0 : i32
      %scan3A_54 = arith.constant 64 : i32
      %scan3A_55 = arith.addi %scan3A_53, %scan3A_54 : i32
      %scan3A_56 = arith.constant 1 : i32
      scf.for %scan3A_62 = %scan3A_53 to %scan3A_55 step %scan3A_56  : i32 {
        %mul3A_63 = arith.constant 256 : i32
        %mul3A_64 = arith.muli %scan3A_62, %mul3A_63 : i32
        %broadcast_in_dim3A_65 = vector.broadcast %mul3A_64 : i32 to vector<16xi32>
        %add3A_66 = arith.constant 0 : i32
        %add3A_67 = arith.addi %mul3A_64, %add3A_66 : i32
        %get3A_68 = arith.index_cast %add3A_67 : i32 to index
        %get3A_69 = tpu.vector_load %arg6[%get3A_68] {strides = array<i32>} : memref<16384xf32, #tpu.memory_space<vmem>>, vector<16xf32>,
        %add3A_70 = arith.constant 9.99999974E-6 : f32
        %add3A_71 = vector.broadcast %add3A_70 : f32 to vector<16xf32>
        %add3A_72 = arith.addf %get3A_69, %add3A_71 : vector<16xf32>
        %add3A_73 = arith.constant 16 : i32
        %add3A_74 = arith.addi %mul3A_64, %add3A_73 : i32
        %get3A_75 = arith.index_cast %add3A_74 : i32 to index
        %get3A_76 = tpu.vector_load %arg6[%get3A_75] {strides = array<i32>} : memref<16384xf32, #tpu.memory_space<vmem>>, vector<16xf32>,
        %add3A_77 = arith.constant 9.99999974E-6 : f32
        %add3A_78 = vector.broadcast %add3A_77 : f32 to vector<16xf32>
        %add3A_79 = arith.addf %get3A_76, %add3A_78 : vector<16xf32>
        %add3A_80 = arith.constant 32 : i32
        %add3A_81 = arith.addi %mul3A_64, %add3A_80 : i32
        %get3A_82 = arith.index_cast %add3A_81 : i32 to index
        %get3A_83 = tpu.vector_load %arg6[%get3A_82] {strides = array<i32>} : memref<16384xf32, #tpu.memory_space<vmem>>, vector<16xf32>,
        %add3A_84 = arith.constant 9.99999974E-6 : f32
        %add3A_85 = vector.broadcast %add3A_84 : f32 to vector<16xf32>
        %add3A_86 = arith.addf %get3A_83, %add3A_85 : vector<16xf32>
        %add3A_87 = arith.constant 48 : i32
        %add3A_88 = arith.addi %mul3A_64, %add3A_87 : i32
        %get3A_89 = arith.index_cast %add3A_88 : i32 to index
        %get3A_90 = tpu.vector_load %arg6[%get3A_89] {strides = array<i32>} : memref<16384xf32, #tpu.memory_space<vmem>>, vector<16xf32>,
        %add3A_91 = arith.constant 9.99999974E-6 : f32
        %add3A_92 = vector.broadcast %add3A_91 : f32 to vector<16xf32>
        %add3A_93 = arith.addf %get3A_90, %add3A_92 : vector<16xf32>
        %add3A_94 = arith.constant 64 : i32
        %add3A_95 = arith.addi %mul3A_64, %add3A_94 : i32
        %get3A_96 = arith.index_cast %add3A_95 : i32 to index
        %get3A_97 = tpu.vector_load %arg6[%get3A_96] {strides = array<i32>} : memref<16384xf32, #tpu.memory_space<vmem>>, vector<16xf32>,
        %add3A_98 = arith.constant 9.99999974E-6 : f32
        %add3A_99 = vector.broadcast %add3A_98 : f32 to vector<16xf32>
        %add3A_100 = arith.addf %get3A_97, %add3A_99 : vector<16xf32>
        %add3A_101 = arith.constant 80 : i32
        %add3A_102 = arith.addi %mul3A_64, %add3A_101 : i32
        %get3A_103 = arith.index_cast %add3A_102 : i32 to index
        %get3A_104 = tpu.vector_load %arg6[%get3A_103] {strides = array<i32>} : memref<16384xf32, #tpu.memory_space<vmem>>, vector<16xf32>,
        %add3A_105 = arith.constant 9.99999974E-6 : f32
        %add3A_106 = vector.broadcast %add3A_105 : f32 to vector<16xf32>
        %add3A_107 = arith.addf %get3A_104, %add3A_106 : vector<16xf32>
        %add3A_108 = arith.constant 96 : i32
        %add3A_109 = arith.addi %mul3A_64, %add3A_108 : i32
        %get3A_110 = arith.index_cast %add3A_109 : i32 to index
        %get3A_111 = tpu.vector_load %arg6[%get3A_110] {strides = array<i32>} : memref<16384xf32, #tpu.memory_space<vmem>>, vector<16xf32>,
        %add3A_112 = arith.constant 9.99999974E-6 : f32
        %add3A_113 = vector.broadcast %add3A_112 : f32 to vector<16xf32>
        %add3A_114 = arith.addf %get3A_111, %add3A_113 : vector<16xf32>
        %add3A_115 = arith.constant 112 : i32
        %add3A_116 = arith.addi %mul3A_64, %add3A_115 : i32
        %get3A_117 = arith.index_cast %add3A_116 : i32 to index
        %get3A_118 = tpu.vector_load %arg6[%get3A_117] {strides = array<i32>} : memref<16384xf32, #tpu.memory_space<vmem>>, vector<16xf32>,
        %add3A_119 = arith.constant 9.99999974E-6 : f32
        %add3A_120 = vector.broadcast %add3A_119 : f32 to vector<16xf32>
        %add3A_121 = arith.addf %get3A_118, %add3A_120 : vector<16xf32>
        %jit3A = arith.constant 0.000000e+00 : f32
        %broadcast_in_dim3A_122 = vector.broadcast %jit3A : f32 to vector<16xf32>
        %select_n3A = arith.select %lt3A_10, %add3A_121, %broadcast_in_dim3A_122 : vector<16xi1>, vector<16xf32>
        %broadcast_in_dim3A_123 = arith.constant true
        %broadcast_in_dim3A_124 = vector.broadcast %broadcast_in_dim3A_123 : i1 to vector<16xi1>
        %masked_cumsum3A = tpu.scan <sum>, %add3A_72 masked %broadcast_in_dim3A_124 : vector<16xf32>, vector<16xi1> -> vector<16xf32>
        %swap3A = arith.constant 0 : index
        %swap3A_125 = tpu.vector_load %arg11[%swap3A] {strides = array<i32>} : memref<128xf32, #tpu.memory_space<vmem>>, vector<16xf32>,
        tpu.vector_store %arg11[%swap3A], %masked_cumsum3A {strides = array<i32>} : memref<128xf32, #tpu.memory_space<vmem>>, vector<16xf32>,
        %sub3A = arith.subf %masked_cumsum3A, %add3A_72 : vector<16xf32>
        %broadcast_in_dim3A_126 = arith.constant true
        %broadcast_in_dim3A_127 = vector.broadcast %broadcast_in_dim3A_126 : i1 to vector<16xi1>
        %masked_cumsum3A_128 = tpu.scan <sum>, %add3A_79 masked %broadcast_in_dim3A_127 : vector<16xf32>, vector<16xi1> -> vector<16xf32>
        %swap3A_129 = arith.constant 16 : index
        %swap3A_130 = tpu.vector_load %arg11[%swap3A_129] {strides = array<i32>} : memref<128xf32, #tpu.memory_space<vmem>>, vector<16xf32>,
        tpu.vector_store %arg11[%swap3A_129], %masked_cumsum3A_128 {strides = array<i32>} : memref<128xf32, #tpu.memory_space<vmem>>, vector<16xf32>,
        %sub3A_131 = arith.subf %masked_cumsum3A_128, %add3A_79 : vector<16xf32>
        %broadcast_in_dim3A_132 = arith.constant true
        %broadcast_in_dim3A_133 = vector.broadcast %broadcast_in_dim3A_132 : i1 to vector<16xi1>
        %masked_cumsum3A_134 = tpu.scan <sum>, %add3A_86 masked %broadcast_in_dim3A_133 : vector<16xf32>, vector<16xi1> -> vector<16xf32>
        %swap3A_135 = arith.constant 32 : index
        %swap3A_136 = tpu.vector_load %arg11[%swap3A_135] {strides = array<i32>} : memref<128xf32, #tpu.memory_space<vmem>>, vector<16xf32>,
        tpu.vector_store %arg11[%swap3A_135], %masked_cumsum3A_134 {strides = array<i32>} : memref<128xf32, #tpu.memory_space<vmem>>, vector<16xf32>,
        %sub3A_137 = arith.subf %masked_cumsum3A_134, %add3A_86 : vector<16xf32>
        %broadcast_in_dim3A_138 = arith.constant true
        %broadcast_in_dim3A_139 = vector.broadcast %broadcast_in_dim3A_138 : i1 to vector<16xi1>
        %masked_cumsum3A_140 = tpu.scan <sum>, %add3A_93 masked %broadcast_in_dim3A_139 : vector<16xf32>, vector<16xi1> -> vector<16xf32>
        %swap3A_141 = arith.constant 48 : index
        %swap3A_142 = tpu.vector_load %arg11[%swap3A_141] {strides = array<i32>} : memref<128xf32, #tpu.memory_space<vmem>>, vector<16xf32>,
        tpu.vector_store %arg11[%swap3A_141], %masked_cumsum3A_140 {strides = array<i32>} : memref<128xf32, #tpu.memory_space<vmem>>, vector<16xf32>,
        %sub3A_143 = arith.subf %masked_cumsum3A_140, %add3A_93 : vector<16xf32>
        %broadcast_in_dim3A_144 = arith.constant true
        %broadcast_in_dim3A_145 = vector.broadcast %broadcast_in_dim3A_144 : i1 to vector<16xi1>
        %masked_cumsum3A_146 = tpu.scan <sum>, %add3A_100 masked %broadcast_in_dim3A_145 : vector<16xf32>, vector<16xi1> -> vector<16xf32>
        %swap3A_147 = arith.constant 64 : index
        %swap3A_148 = tpu.vector_load %arg11[%swap3A_147] {strides = array<i32>} : memref<128xf32, #tpu.memory_space<vmem>>, vector<16xf32>,
        tpu.vector_store %arg11[%swap3A_147], %masked_cumsum3A_146 {strides = array<i32>} : memref<128xf32, #tpu.memory_space<vmem>>, vector<16xf32>,
        %sub3A_149 = arith.subf %masked_cumsum3A_146, %add3A_100 : vector<16xf32>
        %broadcast_in_dim3A_150 = arith.constant true
        %broadcast_in_dim3A_151 = vector.broadcast %broadcast_in_dim3A_150 : i1 to vector<16xi1>
        %masked_cumsum3A_152 = tpu.scan <sum>, %add3A_107 masked %broadcast_in_dim3A_151 : vector<16xf32>, vector<16xi1> -> vector<16xf32>
        %swap3A_153 = arith.constant 80 : index
        %swap3A_154 = tpu.vector_load %arg11[%swap3A_153] {strides = array<i32>} : memref<128xf32, #tpu.memory_space<vmem>>, vector<16xf32>,
        tpu.vector_store %arg11[%swap3A_153], %masked_cumsum3A_152 {strides = array<i32>} : memref<128xf32, #tpu.memory_space<vmem>>, vector<16xf32>,
        %sub3A_155 = arith.subf %masked_cumsum3A_152, %add3A_107 : vector<16xf32>
        %broadcast_in_dim3A_156 = arith.constant true
        %broadcast_in_dim3A_157 = vector.broadcast %broadcast_in_dim3A_156 : i1 to vector<16xi1>
        %masked_cumsum3A_158 = tpu.scan <sum>, %add3A_114 masked %broadcast_in_dim3A_157 : vector<16xf32>, vector<16xi1> -> vector<16xf32>
        %swap3A_159 = arith.constant 96 : index
        %swap3A_160 = tpu.vector_load %arg11[%swap3A_159] {strides = array<i32>} : memref<128xf32, #tpu.memory_space<vmem>>, vector<16xf32>,
        tpu.vector_store %arg11[%swap3A_159], %masked_cumsum3A_158 {strides = array<i32>} : memref<128xf32, #tpu.memory_space<vmem>>, vector<16xf32>,
        %sub3A_161 = arith.subf %masked_cumsum3A_158, %add3A_114 : vector<16xf32>
        %broadcast_in_dim3A_162 = arith.constant true
        %broadcast_in_dim3A_163 = vector.broadcast %broadcast_in_dim3A_162 : i1 to vector<16xi1>
        %masked_cumsum3A_164 = tpu.scan <sum>, %select_n3A masked %broadcast_in_dim3A_163 : vector<16xf32>, vector<16xi1> -> vector<16xf32>
        %swap3A_165 = arith.constant 112 : index
        %swap3A_166 = tpu.vector_load %arg11[%swap3A_165] {strides = array<i32>} : memref<128xf32, #tpu.memory_space<vmem>>, vector<16xf32>,
        tpu.vector_store %arg11[%swap3A_165], %masked_cumsum3A_164 {strides = array<i32>} : memref<128xf32, #tpu.memory_space<vmem>>, vector<16xf32>,
        %sub3A_167 = arith.subf %masked_cumsum3A_164, %select_n3A : vector<16xf32>
        %gather3A = tpu.vector_load_idx %arg11[%add3A_8] : memref<128xf32, #tpu.memory_space<vmem>>[vector<16xi32>], vector<16xf32>,
        %broadcast_in_dim3A_168 = arith.constant true
        %broadcast_in_dim3A_169 = vector.broadcast %broadcast_in_dim3A_168 : i1 to vector<16xi1>
        %masked_cumsum3A_170 = tpu.scan <sum>, %gather3A masked %broadcast_in_dim3A_169 : vector<16xf32>, vector<16xi1> -> vector<16xf32>
        %sub3A_171 = arith.subf %masked_cumsum3A_170, %gather3A : vector<16xf32>
        %swap3A_172 = arith.constant 0 : index
        %swap3A_173 = tpu.vector_load %arg13[%swap3A_172] {strides = array<i32>} : memref<32xf32, #tpu.memory_space<vmem>>, vector<16xf32>,
        tpu.vector_store %arg13[%swap3A_172], %sub3A_171 {strides = array<i32>} : memref<32xf32, #tpu.memory_space<vmem>>, vector<16xf32>,
        %swap3A_174 = arith.constant 16 : index
        %swap3A_175 = tpu.vector_load %arg13[%swap3A_174] {strides = array<i32>} : memref<32xf32, #tpu.memory_space<vmem>>, vector<16xf32>,
        tpu.vector_store %arg13[%swap3A_174], %masked_cumsum3A_170 {strides = array<i32>} : memref<32xf32, #tpu.memory_space<vmem>>, vector<16xf32>,
        %gather3A_176 = tpu.vector_load_idx %arg13[%broadcast_in_dim3A_29] : memref<32xf32, #tpu.memory_space<vmem>>[vector<16xi32>], vector<16xf32>,
        %div3A = arith.constant 1.000000e+00 : f32
        %div3A_177 = vector.broadcast %div3A : f32 to vector<16xf32>
        %div3A_178 = arith.divf %div3A_177, %gather3A_176 : vector<16xf32>
        %swap3A_179 = arith.constant 0 : index
        %swap3A_180 = tpu.vector_load %arg15[%swap3A_179] {strides = array<i32>} : memref<144xf32, #tpu.memory_space<vmem>>, vector<16xf32>,
        tpu.vector_store %arg15[%swap3A_179], %broadcast_in_dim3A_13 {strides = array<i32>} : memref<144xf32, #tpu.memory_space<vmem>>, vector<16xf32>,
        %swap3A_181 = arith.constant 16 : index
        %swap3A_182 = tpu.vector_load %arg15[%swap3A_181] {strides = array<i32>} : memref<144xf32, #tpu.memory_space<vmem>>, vector<16xf32>,
        tpu.vector_store %arg15[%swap3A_181], %broadcast_in_dim3A_13 {strides = array<i32>} : memref<144xf32, #tpu.memory_space<vmem>>, vector<16xf32>,
        %swap3A_183 = arith.constant 32 : index
        %swap3A_184 = tpu.vector_load %arg15[%swap3A_183] {strides = array<i32>} : memref<144xf32, #tpu.memory_space<vmem>>, vector<16xf32>,
        tpu.vector_store %arg15[%swap3A_183], %broadcast_in_dim3A_13 {strides = array<i32>} : memref<144xf32, #tpu.memory_space<vmem>>, vector<16xf32>,
        %swap3A_185 = arith.constant 48 : index
        %swap3A_186 = tpu.vector_load %arg15[%swap3A_185] {strides = array<i32>} : memref<144xf32, #tpu.memory_space<vmem>>, vector<16xf32>,
        tpu.vector_store %arg15[%swap3A_185], %broadcast_in_dim3A_13 {strides = array<i32>} : memref<144xf32, #tpu.memory_space<vmem>>, vector<16xf32>,
        %swap3A_187 = arith.constant 64 : index
        %swap3A_188 = tpu.vector_load %arg15[%swap3A_187] {strides = array<i32>} : memref<144xf32, #tpu.memory_space<vmem>>, vector<16xf32>,
        tpu.vector_store %arg15[%swap3A_187], %broadcast_in_dim3A_13 {strides = array<i32>} : memref<144xf32, #tpu.memory_space<vmem>>, vector<16xf32>,
        %swap3A_189 = arith.constant 80 : index
        %swap3A_190 = tpu.vector_load %arg15[%swap3A_189] {strides = array<i32>} : memref<144xf32, #tpu.memory_space<vmem>>, vector<16xf32>,
        tpu.vector_store %arg15[%swap3A_189], %broadcast_in_dim3A_13 {strides = array<i32>} : memref<144xf32, #tpu.memory_space<vmem>>, vector<16xf32>,
        %swap3A_191 = arith.constant 96 : index
        %swap3A_192 = tpu.vector_load %arg15[%swap3A_191] {strides = array<i32>} : memref<144xf32, #tpu.memory_space<vmem>>, vector<16xf32>,
        tpu.vector_store %arg15[%swap3A_191], %broadcast_in_dim3A_13 {strides = array<i32>} : memref<144xf32, #tpu.memory_space<vmem>>, vector<16xf32>,
        %swap3A_193 = arith.constant 112 : index
        %swap3A_194 = tpu.vector_load %arg15[%swap3A_193] {strides = array<i32>} : memref<144xf32, #tpu.memory_space<vmem>>, vector<16xf32>,
        tpu.vector_store %arg15[%swap3A_193], %broadcast_in_dim3A_13 {strides = array<i32>} : memref<144xf32, #tpu.memory_space<vmem>>, vector<16xf32>,
        %swap3A_195 = arith.constant 128 : index
        %swap3A_196 = tpu.vector_load %arg15[%swap3A_195] {strides = array<i32>} : memref<144xf32, #tpu.memory_space<vmem>>, vector<16xf32>,
        tpu.vector_store %arg15[%swap3A_195], %broadcast_in_dim3A_13 {strides = array<i32>} : memref<144xf32, #tpu.memory_space<vmem>>, vector<16xf32>,
        %add3A_197 = arith.addf %sub3A, %broadcast_in_dim3A_13 : vector<16xf32>
        %mul3A_198 = arith.mulf %add3A_197, %div3A_178 : vector<16xf32>
        %swap3A_199 = arith.constant 0 : index
        %swap3A_200 = tpu.vector_load %arg10[%swap3A_199] {strides = array<i32>} : memref<128xf32, #tpu.memory_space<vmem>>, vector<16xf32>,
        tpu.vector_store %arg10[%swap3A_199], %mul3A_198 {strides = array<i32>} : memref<128xf32, #tpu.memory_space<vmem>>, vector<16xf32>,
        %sub3A_201 = arith.subf %mul3A_198, %get3A_30 : vector<16xf32>
        %mul3A_202 = arith.mulf %sub3A_201, %get3A_32 : vector<16xf32>
        %add3A_203 = arith.constant 1.000000e+00 : f32
        %add3A_204 = vector.broadcast %add3A_203 : f32 to vector<16xf32>
        %add3A_205 = arith.addf %mul3A_202, %add3A_204 : vector<16xf32>
        %convert_element_type3A = arith.fptosi %add3A_205 : vector<16xf32> to vector<16xi32>
        %max3A = arith.constant 0 : i32
        %max3A_206 = vector.broadcast %max3A : i32 to vector<16xi32>
        %max3A_207 = arith.maxsi %convert_element_type3A, %max3A_206 : vector<16xi32>
        %min3A_208 = arith.constant 128 : i32
        %min3A_209 = vector.broadcast %min3A_208 : i32 to vector<16xi32>
        %min3A_210 = arith.minsi %max3A_207, %min3A_209 : vector<16xi32>
        tpu.vector_store_idx %arg15[%min3A_210], %broadcast_in_dim3A_11 {add = true} : memref<144xf32, #tpu.memory_space<vmem>>[vector<16xi32>], vector<16xf32>,
        %gather3A_211 = tpu.vector_load_idx %arg13[%broadcast_in_dim3A_15] : memref<32xf32, #tpu.memory_space<vmem>>[vector<16xi32>], vector<16xf32>,
        %add3A_212 = arith.addf %sub3A_131, %gather3A_211 : vector<16xf32>
        %mul3A_213 = arith.mulf %add3A_212, %div3A_178 : vector<16xf32>
        %swap3A_214 = arith.constant 16 : index
        %swap3A_215 = tpu.vector_load %arg10[%swap3A_214] {strides = array<i32>} : memref<128xf32, #tpu.memory_space<vmem>>, vector<16xf32>,
        tpu.vector_store %arg10[%swap3A_214], %mul3A_213 {strides = array<i32>} : memref<128xf32, #tpu.memory_space<vmem>>, vector<16xf32>,
        %sub3A_216 = arith.subf %mul3A_213, %get3A_30 : vector<16xf32>
        %mul3A_217 = arith.mulf %sub3A_216, %get3A_32 : vector<16xf32>
        %add3A_218 = arith.constant 1.000000e+00 : f32
        %add3A_219 = vector.broadcast %add3A_218 : f32 to vector<16xf32>
        %add3A_220 = arith.addf %mul3A_217, %add3A_219 : vector<16xf32>
        %convert_element_type3A_221 = arith.fptosi %add3A_220 : vector<16xf32> to vector<16xi32>
        %max3A_222 = arith.constant 0 : i32
        %max3A_223 = vector.broadcast %max3A_222 : i32 to vector<16xi32>
        %max3A_224 = arith.maxsi %convert_element_type3A_221, %max3A_223 : vector<16xi32>
        %min3A_225 = arith.constant 128 : i32
        %min3A_226 = vector.broadcast %min3A_225 : i32 to vector<16xi32>
        %min3A_227 = arith.minsi %max3A_224, %min3A_226 : vector<16xi32>
        tpu.vector_store_idx %arg15[%min3A_227], %broadcast_in_dim3A_11 {add = true} : memref<144xf32, #tpu.memory_space<vmem>>[vector<16xi32>], vector<16xf32>,
        %gather3A_228 = tpu.vector_load_idx %arg13[%broadcast_in_dim3A_17] : memref<32xf32, #tpu.memory_space<vmem>>[vector<16xi32>], vector<16xf32>,
        %add3A_229 = arith.addf %sub3A_137, %gather3A_228 : vector<16xf32>
        %mul3A_230 = arith.mulf %add3A_229, %div3A_178 : vector<16xf32>
        %swap3A_231 = arith.constant 32 : index
        %swap3A_232 = tpu.vector_load %arg10[%swap3A_231] {strides = array<i32>} : memref<128xf32, #tpu.memory_space<vmem>>, vector<16xf32>,
        tpu.vector_store %arg10[%swap3A_231], %mul3A_230 {strides = array<i32>} : memref<128xf32, #tpu.memory_space<vmem>>, vector<16xf32>,
        %sub3A_233 = arith.subf %mul3A_230, %get3A_30 : vector<16xf32>
        %mul3A_234 = arith.mulf %sub3A_233, %get3A_32 : vector<16xf32>
        %add3A_235 = arith.constant 1.000000e+00 : f32
        %add3A_236 = vector.broadcast %add3A_235 : f32 to vector<16xf32>
        %add3A_237 = arith.addf %mul3A_234, %add3A_236 : vector<16xf32>
        %convert_element_type3A_238 = arith.fptosi %add3A_237 : vector<16xf32> to vector<16xi32>
        %max3A_239 = arith.constant 0 : i32
        %max3A_240 = vector.broadcast %max3A_239 : i32 to vector<16xi32>
        %max3A_241 = arith.maxsi %convert_element_type3A_238, %max3A_240 : vector<16xi32>
        %min3A_242 = arith.constant 128 : i32
        %min3A_243 = vector.broadcast %min3A_242 : i32 to vector<16xi32>
        %min3A_244 = arith.minsi %max3A_241, %min3A_243 : vector<16xi32>
        tpu.vector_store_idx %arg15[%min3A_244], %broadcast_in_dim3A_11 {add = true} : memref<144xf32, #tpu.memory_space<vmem>>[vector<16xi32>], vector<16xf32>,
        %gather3A_245 = tpu.vector_load_idx %arg13[%broadcast_in_dim3A_19] : memref<32xf32, #tpu.memory_space<vmem>>[vector<16xi32>], vector<16xf32>,
        %add3A_246 = arith.addf %sub3A_143, %gather3A_245 : vector<16xf32>
        %mul3A_247 = arith.mulf %add3A_246, %div3A_178 : vector<16xf32>
        %swap3A_248 = arith.constant 48 : index
        %swap3A_249 = tpu.vector_load %arg10[%swap3A_248] {strides = array<i32>} : memref<128xf32, #tpu.memory_space<vmem>>, vector<16xf32>,
        tpu.vector_store %arg10[%swap3A_248], %mul3A_247 {strides = array<i32>} : memref<128xf32, #tpu.memory_space<vmem>>, vector<16xf32>,
        %sub3A_250 = arith.subf %mul3A_247, %get3A_30 : vector<16xf32>
        %mul3A_251 = arith.mulf %sub3A_250, %get3A_32 : vector<16xf32>
        %add3A_252 = arith.constant 1.000000e+00 : f32
        %add3A_253 = vector.broadcast %add3A_252 : f32 to vector<16xf32>
        %add3A_254 = arith.addf %mul3A_251, %add3A_253 : vector<16xf32>
        %convert_element_type3A_255 = arith.fptosi %add3A_254 : vector<16xf32> to vector<16xi32>
        %max3A_256 = arith.constant 0 : i32
        %max3A_257 = vector.broadcast %max3A_256 : i32 to vector<16xi32>
        %max3A_258 = arith.maxsi %convert_element_type3A_255, %max3A_257 : vector<16xi32>
        %min3A_259 = arith.constant 128 : i32
        %min3A_260 = vector.broadcast %min3A_259 : i32 to vector<16xi32>
        %min3A_261 = arith.minsi %max3A_258, %min3A_260 : vector<16xi32>
        tpu.vector_store_idx %arg15[%min3A_261], %broadcast_in_dim3A_11 {add = true} : memref<144xf32, #tpu.memory_space<vmem>>[vector<16xi32>], vector<16xf32>,
        %gather3A_262 = tpu.vector_load_idx %arg13[%broadcast_in_dim3A_21] : memref<32xf32, #tpu.memory_space<vmem>>[vector<16xi32>], vector<16xf32>,
        %add3A_263 = arith.addf %sub3A_149, %gather3A_262 : vector<16xf32>
        %mul3A_264 = arith.mulf %add3A_263, %div3A_178 : vector<16xf32>
        %swap3A_265 = arith.constant 64 : index
        %swap3A_266 = tpu.vector_load %arg10[%swap3A_265] {strides = array<i32>} : memref<128xf32, #tpu.memory_space<vmem>>, vector<16xf32>,
        tpu.vector_store %arg10[%swap3A_265], %mul3A_264 {strides = array<i32>} : memref<128xf32, #tpu.memory_space<vmem>>, vector<16xf32>,
        %sub3A_267 = arith.subf %mul3A_264, %get3A_30 : vector<16xf32>
        %mul3A_268 = arith.mulf %sub3A_267, %get3A_32 : vector<16xf32>
        %add3A_269 = arith.constant 1.000000e+00 : f32
        %add3A_270 = vector.broadcast %add3A_269 : f32 to vector<16xf32>
        %add3A_271 = arith.addf %mul3A_268, %add3A_270 : vector<16xf32>
        %convert_element_type3A_272 = arith.fptosi %add3A_271 : vector<16xf32> to vector<16xi32>
        %max3A_273 = arith.constant 0 : i32
        %max3A_274 = vector.broadcast %max3A_273 : i32 to vector<16xi32>
        %max3A_275 = arith.maxsi %convert_element_type3A_272, %max3A_274 : vector<16xi32>
        %min3A_276 = arith.constant 128 : i32
        %min3A_277 = vector.broadcast %min3A_276 : i32 to vector<16xi32>
        %min3A_278 = arith.minsi %max3A_275, %min3A_277 : vector<16xi32>
        tpu.vector_store_idx %arg15[%min3A_278], %broadcast_in_dim3A_11 {add = true} : memref<144xf32, #tpu.memory_space<vmem>>[vector<16xi32>], vector<16xf32>,
        %gather3A_279 = tpu.vector_load_idx %arg13[%broadcast_in_dim3A_23] : memref<32xf32, #tpu.memory_space<vmem>>[vector<16xi32>], vector<16xf32>,
        %add3A_280 = arith.addf %sub3A_155, %gather3A_279 : vector<16xf32>
        %mul3A_281 = arith.mulf %add3A_280, %div3A_178 : vector<16xf32>
        %swap3A_282 = arith.constant 80 : index
        %swap3A_283 = tpu.vector_load %arg10[%swap3A_282] {strides = array<i32>} : memref<128xf32, #tpu.memory_space<vmem>>, vector<16xf32>,
        tpu.vector_store %arg10[%swap3A_282], %mul3A_281 {strides = array<i32>} : memref<128xf32, #tpu.memory_space<vmem>>, vector<16xf32>,
        %sub3A_284 = arith.subf %mul3A_281, %get3A_30 : vector<16xf32>
        %mul3A_285 = arith.mulf %sub3A_284, %get3A_32 : vector<16xf32>
        %add3A_286 = arith.constant 1.000000e+00 : f32
        %add3A_287 = vector.broadcast %add3A_286 : f32 to vector<16xf32>
        %add3A_288 = arith.addf %mul3A_285, %add3A_287 : vector<16xf32>
        %convert_element_type3A_289 = arith.fptosi %add3A_288 : vector<16xf32> to vector<16xi32>
        %max3A_290 = arith.constant 0 : i32
        %max3A_291 = vector.broadcast %max3A_290 : i32 to vector<16xi32>
        %max3A_292 = arith.maxsi %convert_element_type3A_289, %max3A_291 : vector<16xi32>
        %min3A_293 = arith.constant 128 : i32
        %min3A_294 = vector.broadcast %min3A_293 : i32 to vector<16xi32>
        %min3A_295 = arith.minsi %max3A_292, %min3A_294 : vector<16xi32>
        tpu.vector_store_idx %arg15[%min3A_295], %broadcast_in_dim3A_11 {add = true} : memref<144xf32, #tpu.memory_space<vmem>>[vector<16xi32>], vector<16xf32>,
        %gather3A_296 = tpu.vector_load_idx %arg13[%broadcast_in_dim3A_25] : memref<32xf32, #tpu.memory_space<vmem>>[vector<16xi32>], vector<16xf32>,
        %add3A_297 = arith.addf %sub3A_161, %gather3A_296 : vector<16xf32>
        %mul3A_298 = arith.mulf %add3A_297, %div3A_178 : vector<16xf32>
        %swap3A_299 = arith.constant 96 : index
        %swap3A_300 = tpu.vector_load %arg10[%swap3A_299] {strides = array<i32>} : memref<128xf32, #tpu.memory_space<vmem>>, vector<16xf32>,
        tpu.vector_store %arg10[%swap3A_299], %mul3A_298 {strides = array<i32>} : memref<128xf32, #tpu.memory_space<vmem>>, vector<16xf32>,
        %sub3A_301 = arith.subf %mul3A_298, %get3A_30 : vector<16xf32>
        %mul3A_302 = arith.mulf %sub3A_301, %get3A_32 : vector<16xf32>
        %add3A_303 = arith.constant 1.000000e+00 : f32
        %add3A_304 = vector.broadcast %add3A_303 : f32 to vector<16xf32>
        %add3A_305 = arith.addf %mul3A_302, %add3A_304 : vector<16xf32>
        %convert_element_type3A_306 = arith.fptosi %add3A_305 : vector<16xf32> to vector<16xi32>
        %max3A_307 = arith.constant 0 : i32
        %max3A_308 = vector.broadcast %max3A_307 : i32 to vector<16xi32>
        %max3A_309 = arith.maxsi %convert_element_type3A_306, %max3A_308 : vector<16xi32>
        %min3A_310 = arith.constant 128 : i32
        %min3A_311 = vector.broadcast %min3A_310 : i32 to vector<16xi32>
        %min3A_312 = arith.minsi %max3A_309, %min3A_311 : vector<16xi32>
        tpu.vector_store_idx %arg15[%min3A_312], %broadcast_in_dim3A_11 {add = true} : memref<144xf32, #tpu.memory_space<vmem>>[vector<16xi32>], vector<16xf32>,
        %gather3A_313 = tpu.vector_load_idx %arg13[%broadcast_in_dim3A_27] : memref<32xf32, #tpu.memory_space<vmem>>[vector<16xi32>], vector<16xf32>,
        %add3A_314 = arith.addf %sub3A_167, %gather3A_313 : vector<16xf32>
        %mul3A_315 = arith.mulf %add3A_314, %div3A_178 : vector<16xf32>
        %swap3A_316 = arith.constant 112 : index
        %swap3A_317 = tpu.vector_load %arg10[%swap3A_316] {strides = array<i32>} : memref<128xf32, #tpu.memory_space<vmem>>, vector<16xf32>,
        tpu.vector_store %arg10[%swap3A_316], %mul3A_315 {strides = array<i32>} : memref<128xf32, #tpu.memory_space<vmem>>, vector<16xf32>,
        %sub3A_318 = arith.subf %mul3A_315, %get3A_30 : vector<16xf32>
        %mul3A_319 = arith.mulf %sub3A_318, %get3A_32 : vector<16xf32>
        %add3A_320 = arith.constant 1.000000e+00 : f32
        %add3A_321 = vector.broadcast %add3A_320 : f32 to vector<16xf32>
        %add3A_322 = arith.addf %mul3A_319, %add3A_321 : vector<16xf32>
        %convert_element_type3A_323 = arith.fptosi %add3A_322 : vector<16xf32> to vector<16xi32>
        %max3A_324 = arith.constant 0 : i32
        %max3A_325 = vector.broadcast %max3A_324 : i32 to vector<16xi32>
        %max3A_326 = arith.maxsi %convert_element_type3A_323, %max3A_325 : vector<16xi32>
        %min3A_327 = arith.constant 128 : i32
        %min3A_328 = vector.broadcast %min3A_327 : i32 to vector<16xi32>
        %min3A_329 = arith.minsi %max3A_326, %min3A_328 : vector<16xi32>
        tpu.vector_store_idx %arg15[%min3A_329], %broadcast_in_dim3A_11 {add = true} : memref<144xf32, #tpu.memory_space<vmem>>[vector<16xi32>], vector<16xf32>,
        %get3A_330 = arith.constant 0 : index
        %get3A_331 = tpu.vector_load %arg15[%get3A_330] {strides = array<i32>} : memref<144xf32, #tpu.memory_space<vmem>>, vector<16xf32>,
        %broadcast_in_dim3A_332 = arith.constant true
        %broadcast_in_dim3A_333 = vector.broadcast %broadcast_in_dim3A_332 : i1 to vector<16xi1>
        %masked_cumsum3A_334 = tpu.scan <sum>, %get3A_331 masked %broadcast_in_dim3A_333 : vector<16xf32>, vector<16xi1> -> vector<16xf32>
        %swap3A_335 = arith.constant 0 : index
        %swap3A_336 = tpu.vector_load %arg12[%swap3A_335] {strides = array<i32>} : memref<128xf32, #tpu.memory_space<vmem>>, vector<16xf32>,
        tpu.vector_store %arg12[%swap3A_335], %masked_cumsum3A_334 {strides = array<i32>} : memref<128xf32, #tpu.memory_space<vmem>>, vector<16xf32>,
        %get3A_337 = arith.constant 16 : index
        %get3A_338 = tpu.vector_load %arg15[%get3A_337] {strides = array<i32>} : memref<144xf32, #tpu.memory_space<vmem>>, vector<16xf32>,
        %broadcast_in_dim3A_339 = arith.constant true
        %broadcast_in_dim3A_340 = vector.broadcast %broadcast_in_dim3A_339 : i1 to vector<16xi1>
        %masked_cumsum3A_341 = tpu.scan <sum>, %get3A_338 masked %broadcast_in_dim3A_340 : vector<16xf32>, vector<16xi1> -> vector<16xf32>
        %swap3A_342 = arith.constant 16 : index
        %swap3A_343 = tpu.vector_load %arg12[%swap3A_342] {strides = array<i32>} : memref<128xf32, #tpu.memory_space<vmem>>, vector<16xf32>,
        tpu.vector_store %arg12[%swap3A_342], %masked_cumsum3A_341 {strides = array<i32>} : memref<128xf32, #tpu.memory_space<vmem>>, vector<16xf32>,
        %get3A_344 = arith.constant 32 : index
        %get3A_345 = tpu.vector_load %arg15[%get3A_344] {strides = array<i32>} : memref<144xf32, #tpu.memory_space<vmem>>, vector<16xf32>,
        %broadcast_in_dim3A_346 = arith.constant true
        %broadcast_in_dim3A_347 = vector.broadcast %broadcast_in_dim3A_346 : i1 to vector<16xi1>
        %masked_cumsum3A_348 = tpu.scan <sum>, %get3A_345 masked %broadcast_in_dim3A_347 : vector<16xf32>, vector<16xi1> -> vector<16xf32>
        %swap3A_349 = arith.constant 32 : index
        %swap3A_350 = tpu.vector_load %arg12[%swap3A_349] {strides = array<i32>} : memref<128xf32, #tpu.memory_space<vmem>>, vector<16xf32>,
        tpu.vector_store %arg12[%swap3A_349], %masked_cumsum3A_348 {strides = array<i32>} : memref<128xf32, #tpu.memory_space<vmem>>, vector<16xf32>,
        %get3A_351 = arith.constant 48 : index
        %get3A_352 = tpu.vector_load %arg15[%get3A_351] {strides = array<i32>} : memref<144xf32, #tpu.memory_space<vmem>>, vector<16xf32>,
        %broadcast_in_dim3A_353 = arith.constant true
        %broadcast_in_dim3A_354 = vector.broadcast %broadcast_in_dim3A_353 : i1 to vector<16xi1>
        %masked_cumsum3A_355 = tpu.scan <sum>, %get3A_352 masked %broadcast_in_dim3A_354 : vector<16xf32>, vector<16xi1> -> vector<16xf32>
        %swap3A_356 = arith.constant 48 : index
        %swap3A_357 = tpu.vector_load %arg12[%swap3A_356] {strides = array<i32>} : memref<128xf32, #tpu.memory_space<vmem>>, vector<16xf32>,
        tpu.vector_store %arg12[%swap3A_356], %masked_cumsum3A_355 {strides = array<i32>} : memref<128xf32, #tpu.memory_space<vmem>>, vector<16xf32>,
        %get3A_358 = arith.constant 64 : index
        %get3A_359 = tpu.vector_load %arg15[%get3A_358] {strides = array<i32>} : memref<144xf32, #tpu.memory_space<vmem>>, vector<16xf32>,
        %broadcast_in_dim3A_360 = arith.constant true
        %broadcast_in_dim3A_361 = vector.broadcast %broadcast_in_dim3A_360 : i1 to vector<16xi1>
        %masked_cumsum3A_362 = tpu.scan <sum>, %get3A_359 masked %broadcast_in_dim3A_361 : vector<16xf32>, vector<16xi1> -> vector<16xf32>
        %swap3A_363 = arith.constant 64 : index
        %swap3A_364 = tpu.vector_load %arg12[%swap3A_363] {strides = array<i32>} : memref<128xf32, #tpu.memory_space<vmem>>, vector<16xf32>,
        tpu.vector_store %arg12[%swap3A_363], %masked_cumsum3A_362 {strides = array<i32>} : memref<128xf32, #tpu.memory_space<vmem>>, vector<16xf32>,
        %get3A_365 = arith.constant 80 : index
        %get3A_366 = tpu.vector_load %arg15[%get3A_365] {strides = array<i32>} : memref<144xf32, #tpu.memory_space<vmem>>, vector<16xf32>,
        %broadcast_in_dim3A_367 = arith.constant true
        %broadcast_in_dim3A_368 = vector.broadcast %broadcast_in_dim3A_367 : i1 to vector<16xi1>
        %masked_cumsum3A_369 = tpu.scan <sum>, %get3A_366 masked %broadcast_in_dim3A_368 : vector<16xf32>, vector<16xi1> -> vector<16xf32>
        %swap3A_370 = arith.constant 80 : index
        %swap3A_371 = tpu.vector_load %arg12[%swap3A_370] {strides = array<i32>} : memref<128xf32, #tpu.memory_space<vmem>>, vector<16xf32>,
        tpu.vector_store %arg12[%swap3A_370], %masked_cumsum3A_369 {strides = array<i32>} : memref<128xf32, #tpu.memory_space<vmem>>, vector<16xf32>,
        %get3A_372 = arith.constant 96 : index
        %get3A_373 = tpu.vector_load %arg15[%get3A_372] {strides = array<i32>} : memref<144xf32, #tpu.memory_space<vmem>>, vector<16xf32>,
        %broadcast_in_dim3A_374 = arith.constant true
        %broadcast_in_dim3A_375 = vector.broadcast %broadcast_in_dim3A_374 : i1 to vector<16xi1>
        %masked_cumsum3A_376 = tpu.scan <sum>, %get3A_373 masked %broadcast_in_dim3A_375 : vector<16xf32>, vector<16xi1> -> vector<16xf32>
        %swap3A_377 = arith.constant 96 : index
        %swap3A_378 = tpu.vector_load %arg12[%swap3A_377] {strides = array<i32>} : memref<128xf32, #tpu.memory_space<vmem>>, vector<16xf32>,
        tpu.vector_store %arg12[%swap3A_377], %masked_cumsum3A_376 {strides = array<i32>} : memref<128xf32, #tpu.memory_space<vmem>>, vector<16xf32>,
        %get3A_379 = arith.constant 112 : index
        %get3A_380 = tpu.vector_load %arg15[%get3A_379] {strides = array<i32>} : memref<144xf32, #tpu.memory_space<vmem>>, vector<16xf32>,
        %broadcast_in_dim3A_381 = arith.constant true
        %broadcast_in_dim3A_382 = vector.broadcast %broadcast_in_dim3A_381 : i1 to vector<16xi1>
        %masked_cumsum3A_383 = tpu.scan <sum>, %get3A_380 masked %broadcast_in_dim3A_382 : vector<16xf32>, vector<16xi1> -> vector<16xf32>
        %swap3A_384 = arith.constant 112 : index
        %swap3A_385 = tpu.vector_load %arg12[%swap3A_384] {strides = array<i32>} : memref<128xf32, #tpu.memory_space<vmem>>, vector<16xf32>,
        tpu.vector_store %arg12[%swap3A_384], %masked_cumsum3A_383 {strides = array<i32>} : memref<128xf32, #tpu.memory_space<vmem>>, vector<16xf32>,
        %gather3A_386 = tpu.vector_load_idx %arg12[%add3A_8] : memref<128xf32, #tpu.memory_space<vmem>>[vector<16xi32>], vector<16xf32>,
        %broadcast_in_dim3A_387 = arith.constant true
        %broadcast_in_dim3A_388 = vector.broadcast %broadcast_in_dim3A_387 : i1 to vector<16xi1>
        %masked_cumsum3A_389 = tpu.scan <sum>, %gather3A_386 masked %broadcast_in_dim3A_388 : vector<16xf32>, vector<16xi1> -> vector<16xf32>
        %sub3A_390 = arith.subf %masked_cumsum3A_389, %gather3A_386 : vector<16xf32>
        %swap3A_391 = arith.constant 0 : index
        %swap3A_392 = tpu.vector_load %arg14[%swap3A_391] {strides = array<i32>} : memref<16xf32, #tpu.memory_space<vmem>>, vector<16xf32>,
        tpu.vector_store %arg14[%swap3A_391], %sub3A_390 {strides = array<i32>} : memref<16xf32, #tpu.memory_space<vmem>>, vector<16xf32>,
        %add3A_393 = arith.addf %masked_cumsum3A_334, %broadcast_in_dim3A_13 : vector<16xf32>
        %convert_element_type3A_394 = arith.fptosi %add3A_393 : vector<16xf32> to vector<16xi32>
        %sub3A_395 = arith.constant 1 : i32
        %sub3A_396 = vector.broadcast %sub3A_395 : i32 to vector<16xi32>
        %sub3A_397 = arith.subi %convert_element_type3A_394, %sub3A_396 : vector<16xi32>
        %max3A_398 = arith.constant 0 : i32
        %max3A_399 = vector.broadcast %max3A_398 : i32 to vector<16xi32>
        %max3A_400 = arith.maxsi %sub3A_397, %max3A_399 : vector<16xi32>
        %min3A_401 = arith.constant 127 : i32
        %min3A_402 = vector.broadcast %min3A_401 : i32 to vector<16xi32>
        %min3A_403 = arith.minsi %max3A_400, %min3A_402 : vector<16xi32>
        %max3A_404 = arith.constant 0 : i32
        %max3A_405 = vector.broadcast %max3A_404 : i32 to vector<16xi32>
        %max3A_406 = arith.maxsi %convert_element_type3A_394, %max3A_405 : vector<16xi32>
        %min3A_407 = arith.constant 127 : i32
        %min3A_408 = vector.broadcast %min3A_407 : i32 to vector<16xi32>
        %min3A_409 = arith.minsi %max3A_406, %min3A_408 : vector<16xi32>
        %gather3A_410 = tpu.vector_load_idx %arg10[%min3A_403] : memref<128xf32, #tpu.memory_space<vmem>>[vector<16xi32>], vector<16xf32>,
        %gather3A_411 = tpu.vector_load_idx %arg10[%min3A_409] : memref<128xf32, #tpu.memory_space<vmem>>[vector<16xi32>], vector<16xf32>,
        %add3A_412 = arith.addi %broadcast_in_dim3A_65, %min3A_403 : vector<16xi32>
        %gather3A_413 = tpu.vector_load_idx %arg7[%add3A_412] : memref<16384xf32, #tpu.memory_space<vmem>>[vector<16xi32>], vector<16xf32>,
        %add3A_414 = arith.addi %broadcast_in_dim3A_65, %min3A_409 : vector<16xi32>
        %gather3A_415 = tpu.vector_load_idx %arg7[%add3A_414] : memref<16384xf32, #tpu.memory_space<vmem>>[vector<16xi32>], vector<16xf32>,
        %get3A_416 = arith.constant 32 : index
        %get3A_417 = tpu.vector_load %arg9[%get3A_416] {strides = array<i32>} : memref<160xf32, #tpu.memory_space<vmem>>, vector<16xf32>,
        %sub3A_418 = arith.subf %gather3A_411, %gather3A_410 : vector<16xf32>
        %lt3A_419 = arith.constant 9.99999974E-6 : f32
        %lt3A_420 = vector.broadcast %lt3A_419 : f32 to vector<16xf32>
        %lt3A_421 = arith.cmpf olt, %sub3A_418, %lt3A_420 : vector<16xf32>
        %jit3A_422 = arith.constant 1.000000e+00 : f32
        %broadcast_in_dim3A_423 = vector.broadcast %jit3A_422 : f32 to vector<16xf32>
        %select_n3A_424 = arith.select %lt3A_421, %broadcast_in_dim3A_423, %sub3A_418 : vector<16xi1>, vector<16xf32>
        %sub3A_425 = arith.subf %get3A_417, %gather3A_410 : vector<16xf32>
        %div3A_426 = arith.divf %sub3A_425, %select_n3A_424 : vector<16xf32>
        %sub3A_427 = arith.subf %gather3A_415, %gather3A_413 : vector<16xf32>
        %mul3A_428 = arith.mulf %div3A_426, %sub3A_427 : vector<16xf32>
        %add3A_429 = arith.addf %gather3A_413, %mul3A_428 : vector<16xf32>
        %add3A_430 = arith.constant 0 : i32
        %add3A_431 = arith.addi %mul3A_64, %add3A_430 : i32
        %swap3A_432 = arith.index_cast %add3A_431 : i32 to index
        %swap3A_433 = tpu.vector_load %arg8[%swap3A_432] {strides = array<i32>} : memref<16384xf32, #tpu.memory_space<vmem>>, vector<16xf32>,
        tpu.vector_store %arg8[%swap3A_432], %add3A_429 {strides = array<i32>} : memref<16384xf32, #tpu.memory_space<vmem>>, vector<16xf32>,
        %gather3A_434 = tpu.vector_load_idx %arg14[%broadcast_in_dim3A_15] : memref<16xf32, #tpu.memory_space<vmem>>[vector<16xi32>], vector<16xf32>,
        %add3A_435 = arith.addf %masked_cumsum3A_341, %gather3A_434 : vector<16xf32>
        %convert_element_type3A_436 = arith.fptosi %add3A_435 : vector<16xf32> to vector<16xi32>
        %sub3A_437 = arith.constant 1 : i32
        %sub3A_438 = vector.broadcast %sub3A_437 : i32 to vector<16xi32>
        %sub3A_439 = arith.subi %convert_element_type3A_436, %sub3A_438 : vector<16xi32>
        %max3A_440 = arith.constant 0 : i32
        %max3A_441 = vector.broadcast %max3A_440 : i32 to vector<16xi32>
        %max3A_442 = arith.maxsi %sub3A_439, %max3A_441 : vector<16xi32>
        %min3A_443 = arith.constant 127 : i32
        %min3A_444 = vector.broadcast %min3A_443 : i32 to vector<16xi32>
        %min3A_445 = arith.minsi %max3A_442, %min3A_444 : vector<16xi32>
        %max3A_446 = arith.constant 0 : i32
        %max3A_447 = vector.broadcast %max3A_446 : i32 to vector<16xi32>
        %max3A_448 = arith.maxsi %convert_element_type3A_436, %max3A_447 : vector<16xi32>
        %min3A_449 = arith.constant 127 : i32
        %min3A_450 = vector.broadcast %min3A_449 : i32 to vector<16xi32>
        %min3A_451 = arith.minsi %max3A_448, %min3A_450 : vector<16xi32>
        %gather3A_452 = tpu.vector_load_idx %arg10[%min3A_445] : memref<128xf32, #tpu.memory_space<vmem>>[vector<16xi32>], vector<16xf32>,
        %gather3A_453 = tpu.vector_load_idx %arg10[%min3A_451] : memref<128xf32, #tpu.memory_space<vmem>>[vector<16xi32>], vector<16xf32>,
        %add3A_454 = arith.addi %broadcast_in_dim3A_65, %min3A_445 : vector<16xi32>
        %gather3A_455 = tpu.vector_load_idx %arg7[%add3A_454] : memref<16384xf32, #tpu.memory_space<vmem>>[vector<16xi32>], vector<16xf32>,
        %add3A_456 = arith.addi %broadcast_in_dim3A_65, %min3A_451 : vector<16xi32>
        %gather3A_457 = tpu.vector_load_idx %arg7[%add3A_456] : memref<16384xf32, #tpu.memory_space<vmem>>[vector<16xi32>], vector<16xf32>,
        %get3A_458 = arith.constant 48 : index
        %get3A_459 = tpu.vector_load %arg9[%get3A_458] {strides = array<i32>} : memref<160xf32, #tpu.memory_space<vmem>>, vector<16xf32>,
        %sub3A_460 = arith.subf %gather3A_453, %gather3A_452 : vector<16xf32>
        %lt3A_461 = arith.constant 9.99999974E-6 : f32
        %lt3A_462 = vector.broadcast %lt3A_461 : f32 to vector<16xf32>
        %lt3A_463 = arith.cmpf olt, %sub3A_460, %lt3A_462 : vector<16xf32>
        %jit3A_464 = arith.constant 1.000000e+00 : f32
        %broadcast_in_dim3A_465 = vector.broadcast %jit3A_464 : f32 to vector<16xf32>
        %select_n3A_466 = arith.select %lt3A_463, %broadcast_in_dim3A_465, %sub3A_460 : vector<16xi1>, vector<16xf32>
        %sub3A_467 = arith.subf %get3A_459, %gather3A_452 : vector<16xf32>
        %div3A_468 = arith.divf %sub3A_467, %select_n3A_466 : vector<16xf32>
        %sub3A_469 = arith.subf %gather3A_457, %gather3A_455 : vector<16xf32>
        %mul3A_470 = arith.mulf %div3A_468, %sub3A_469 : vector<16xf32>
        %add3A_471 = arith.addf %gather3A_455, %mul3A_470 : vector<16xf32>
        %add3A_472 = arith.constant 16 : i32
        %add3A_473 = arith.addi %mul3A_64, %add3A_472 : i32
        %swap3A_474 = arith.index_cast %add3A_473 : i32 to index
        %swap3A_475 = tpu.vector_load %arg8[%swap3A_474] {strides = array<i32>} : memref<16384xf32, #tpu.memory_space<vmem>>, vector<16xf32>,
        tpu.vector_store %arg8[%swap3A_474], %add3A_471 {strides = array<i32>} : memref<16384xf32, #tpu.memory_space<vmem>>, vector<16xf32>,
        %gather3A_476 = tpu.vector_load_idx %arg14[%broadcast_in_dim3A_17] : memref<16xf32, #tpu.memory_space<vmem>>[vector<16xi32>], vector<16xf32>,
        %add3A_477 = arith.addf %masked_cumsum3A_348, %gather3A_476 : vector<16xf32>
        %convert_element_type3A_478 = arith.fptosi %add3A_477 : vector<16xf32> to vector<16xi32>
        %sub3A_479 = arith.constant 1 : i32
        %sub3A_480 = vector.broadcast %sub3A_479 : i32 to vector<16xi32>
        %sub3A_481 = arith.subi %convert_element_type3A_478, %sub3A_480 : vector<16xi32>
        %max3A_482 = arith.constant 0 : i32
        %max3A_483 = vector.broadcast %max3A_482 : i32 to vector<16xi32>
        %max3A_484 = arith.maxsi %sub3A_481, %max3A_483 : vector<16xi32>
        %min3A_485 = arith.constant 127 : i32
        %min3A_486 = vector.broadcast %min3A_485 : i32 to vector<16xi32>
        %min3A_487 = arith.minsi %max3A_484, %min3A_486 : vector<16xi32>
        %max3A_488 = arith.constant 0 : i32
        %max3A_489 = vector.broadcast %max3A_488 : i32 to vector<16xi32>
        %max3A_490 = arith.maxsi %convert_element_type3A_478, %max3A_489 : vector<16xi32>
        %min3A_491 = arith.constant 127 : i32
        %min3A_492 = vector.broadcast %min3A_491 : i32 to vector<16xi32>
        %min3A_493 = arith.minsi %max3A_490, %min3A_492 : vector<16xi32>
        %gather3A_494 = tpu.vector_load_idx %arg10[%min3A_487] : memref<128xf32, #tpu.memory_space<vmem>>[vector<16xi32>], vector<16xf32>,
        %gather3A_495 = tpu.vector_load_idx %arg10[%min3A_493] : memref<128xf32, #tpu.memory_space<vmem>>[vector<16xi32>], vector<16xf32>,
        %add3A_496 = arith.addi %broadcast_in_dim3A_65, %min3A_487 : vector<16xi32>
        %gather3A_497 = tpu.vector_load_idx %arg7[%add3A_496] : memref<16384xf32, #tpu.memory_space<vmem>>[vector<16xi32>], vector<16xf32>,
        %add3A_498 = arith.addi %broadcast_in_dim3A_65, %min3A_493 : vector<16xi32>
        %gather3A_499 = tpu.vector_load_idx %arg7[%add3A_498] : memref<16384xf32, #tpu.memory_space<vmem>>[vector<16xi32>], vector<16xf32>,
        %get3A_500 = arith.constant 64 : index
        %get3A_501 = tpu.vector_load %arg9[%get3A_500] {strides = array<i32>} : memref<160xf32, #tpu.memory_space<vmem>>, vector<16xf32>,
        %sub3A_502 = arith.subf %gather3A_495, %gather3A_494 : vector<16xf32>
        %lt3A_503 = arith.constant 9.99999974E-6 : f32
        %lt3A_504 = vector.broadcast %lt3A_503 : f32 to vector<16xf32>
        %lt3A_505 = arith.cmpf olt, %sub3A_502, %lt3A_504 : vector<16xf32>
        %jit3A_506 = arith.constant 1.000000e+00 : f32
        %broadcast_in_dim3A_507 = vector.broadcast %jit3A_506 : f32 to vector<16xf32>
        %select_n3A_508 = arith.select %lt3A_505, %broadcast_in_dim3A_507, %sub3A_502 : vector<16xi1>, vector<16xf32>
        %sub3A_509 = arith.subf %get3A_501, %gather3A_494 : vector<16xf32>
        %div3A_510 = arith.divf %sub3A_509, %select_n3A_508 : vector<16xf32>
        %sub3A_511 = arith.subf %gather3A_499, %gather3A_497 : vector<16xf32>
        %mul3A_512 = arith.mulf %div3A_510, %sub3A_511 : vector<16xf32>
        %add3A_513 = arith.addf %gather3A_497, %mul3A_512 : vector<16xf32>
        %add3A_514 = arith.constant 32 : i32
        %add3A_515 = arith.addi %mul3A_64, %add3A_514 : i32
        %swap3A_516 = arith.index_cast %add3A_515 : i32 to index
        %swap3A_517 = tpu.vector_load %arg8[%swap3A_516] {strides = array<i32>} : memref<16384xf32, #tpu.memory_space<vmem>>, vector<16xf32>,
        tpu.vector_store %arg8[%swap3A_516], %add3A_513 {strides = array<i32>} : memref<16384xf32, #tpu.memory_space<vmem>>, vector<16xf32>,
        %gather3A_518 = tpu.vector_load_idx %arg14[%broadcast_in_dim3A_19] : memref<16xf32, #tpu.memory_space<vmem>>[vector<16xi32>], vector<16xf32>,
        %add3A_519 = arith.addf %masked_cumsum3A_355, %gather3A_518 : vector<16xf32>
        %convert_element_type3A_520 = arith.fptosi %add3A_519 : vector<16xf32> to vector<16xi32>
        %sub3A_521 = arith.constant 1 : i32
        %sub3A_522 = vector.broadcast %sub3A_521 : i32 to vector<16xi32>
        %sub3A_523 = arith.subi %convert_element_type3A_520, %sub3A_522 : vector<16xi32>
        %max3A_524 = arith.constant 0 : i32
        %max3A_525 = vector.broadcast %max3A_524 : i32 to vector<16xi32>
        %max3A_526 = arith.maxsi %sub3A_523, %max3A_525 : vector<16xi32>
        %min3A_527 = arith.constant 127 : i32
        %min3A_528 = vector.broadcast %min3A_527 : i32 to vector<16xi32>
        %min3A_529 = arith.minsi %max3A_526, %min3A_528 : vector<16xi32>
        %max3A_530 = arith.constant 0 : i32
        %max3A_531 = vector.broadcast %max3A_530 : i32 to vector<16xi32>
        %max3A_532 = arith.maxsi %convert_element_type3A_520, %max3A_531 : vector<16xi32>
        %min3A_533 = arith.constant 127 : i32
        %min3A_534 = vector.broadcast %min3A_533 : i32 to vector<16xi32>
        %min3A_535 = arith.minsi %max3A_532, %min3A_534 : vector<16xi32>
        %gather3A_536 = tpu.vector_load_idx %arg10[%min3A_529] : memref<128xf32, #tpu.memory_space<vmem>>[vector<16xi32>], vector<16xf32>,
        %gather3A_537 = tpu.vector_load_idx %arg10[%min3A_535] : memref<128xf32, #tpu.memory_space<vmem>>[vector<16xi32>], vector<16xf32>,
        %add3A_538 = arith.addi %broadcast_in_dim3A_65, %min3A_529 : vector<16xi32>
        %gather3A_539 = tpu.vector_load_idx %arg7[%add3A_538] : memref<16384xf32, #tpu.memory_space<vmem>>[vector<16xi32>], vector<16xf32>,
        %add3A_540 = arith.addi %broadcast_in_dim3A_65, %min3A_535 : vector<16xi32>
        %gather3A_541 = tpu.vector_load_idx %arg7[%add3A_540] : memref<16384xf32, #tpu.memory_space<vmem>>[vector<16xi32>], vector<16xf32>,
        %get3A_542 = arith.constant 80 : index
        %get3A_543 = tpu.vector_load %arg9[%get3A_542] {strides = array<i32>} : memref<160xf32, #tpu.memory_space<vmem>>, vector<16xf32>,
        %sub3A_544 = arith.subf %gather3A_537, %gather3A_536 : vector<16xf32>
        %lt3A_545 = arith.constant 9.99999974E-6 : f32
        %lt3A_546 = vector.broadcast %lt3A_545 : f32 to vector<16xf32>
        %lt3A_547 = arith.cmpf olt, %sub3A_544, %lt3A_546 : vector<16xf32>
        %jit3A_548 = arith.constant 1.000000e+00 : f32
        %broadcast_in_dim3A_549 = vector.broadcast %jit3A_548 : f32 to vector<16xf32>
        %select_n3A_550 = arith.select %lt3A_547, %broadcast_in_dim3A_549, %sub3A_544 : vector<16xi1>, vector<16xf32>
        %sub3A_551 = arith.subf %get3A_543, %gather3A_536 : vector<16xf32>
        %div3A_552 = arith.divf %sub3A_551, %select_n3A_550 : vector<16xf32>
        %sub3A_553 = arith.subf %gather3A_541, %gather3A_539 : vector<16xf32>
        %mul3A_554 = arith.mulf %div3A_552, %sub3A_553 : vector<16xf32>
        %add3A_555 = arith.addf %gather3A_539, %mul3A_554 : vector<16xf32>
        %add3A_556 = arith.constant 48 : i32
        %add3A_557 = arith.addi %mul3A_64, %add3A_556 : i32
        %swap3A_558 = arith.index_cast %add3A_557 : i32 to index
        %swap3A_559 = tpu.vector_load %arg8[%swap3A_558] {strides = array<i32>} : memref<16384xf32, #tpu.memory_space<vmem>>, vector<16xf32>,
        tpu.vector_store %arg8[%swap3A_558], %add3A_555 {strides = array<i32>} : memref<16384xf32, #tpu.memory_space<vmem>>, vector<16xf32>,
        %gather3A_560 = tpu.vector_load_idx %arg14[%broadcast_in_dim3A_21] : memref<16xf32, #tpu.memory_space<vmem>>[vector<16xi32>], vector<16xf32>,
        %add3A_561 = arith.addf %masked_cumsum3A_362, %gather3A_560 : vector<16xf32>
        %convert_element_type3A_562 = arith.fptosi %add3A_561 : vector<16xf32> to vector<16xi32>
        %sub3A_563 = arith.constant 1 : i32
        %sub3A_564 = vector.broadcast %sub3A_563 : i32 to vector<16xi32>
        %sub3A_565 = arith.subi %convert_element_type3A_562, %sub3A_564 : vector<16xi32>
        %max3A_566 = arith.constant 0 : i32
        %max3A_567 = vector.broadcast %max3A_566 : i32 to vector<16xi32>
        %max3A_568 = arith.maxsi %sub3A_565, %max3A_567 : vector<16xi32>
        %min3A_569 = arith.constant 127 : i32
        %min3A_570 = vector.broadcast %min3A_569 : i32 to vector<16xi32>
        %min3A_571 = arith.minsi %max3A_568, %min3A_570 : vector<16xi32>
        %max3A_572 = arith.constant 0 : i32
        %max3A_573 = vector.broadcast %max3A_572 : i32 to vector<16xi32>
        %max3A_574 = arith.maxsi %convert_element_type3A_562, %max3A_573 : vector<16xi32>
        %min3A_575 = arith.constant 127 : i32
        %min3A_576 = vector.broadcast %min3A_575 : i32 to vector<16xi32>
        %min3A_577 = arith.minsi %max3A_574, %min3A_576 : vector<16xi32>
        %gather3A_578 = tpu.vector_load_idx %arg10[%min3A_571] : memref<128xf32, #tpu.memory_space<vmem>>[vector<16xi32>], vector<16xf32>,
        %gather3A_579 = tpu.vector_load_idx %arg10[%min3A_577] : memref<128xf32, #tpu.memory_space<vmem>>[vector<16xi32>], vector<16xf32>,
        %add3A_580 = arith.addi %broadcast_in_dim3A_65, %min3A_571 : vector<16xi32>
        %gather3A_581 = tpu.vector_load_idx %arg7[%add3A_580] : memref<16384xf32, #tpu.memory_space<vmem>>[vector<16xi32>], vector<16xf32>,
        %add3A_582 = arith.addi %broadcast_in_dim3A_65, %min3A_577 : vector<16xi32>
        %gather3A_583 = tpu.vector_load_idx %arg7[%add3A_582] : memref<16384xf32, #tpu.memory_space<vmem>>[vector<16xi32>], vector<16xf32>,
        %get3A_584 = arith.constant 96 : index
        %get3A_585 = tpu.vector_load %arg9[%get3A_584] {strides = array<i32>} : memref<160xf32, #tpu.memory_space<vmem>>, vector<16xf32>,
        %sub3A_586 = arith.subf %gather3A_579, %gather3A_578 : vector<16xf32>
        %lt3A_587 = arith.constant 9.99999974E-6 : f32
        %lt3A_588 = vector.broadcast %lt3A_587 : f32 to vector<16xf32>
        %lt3A_589 = arith.cmpf olt, %sub3A_586, %lt3A_588 : vector<16xf32>
        %jit3A_590 = arith.constant 1.000000e+00 : f32
        %broadcast_in_dim3A_591 = vector.broadcast %jit3A_590 : f32 to vector<16xf32>
        %select_n3A_592 = arith.select %lt3A_589, %broadcast_in_dim3A_591, %sub3A_586 : vector<16xi1>, vector<16xf32>
        %sub3A_593 = arith.subf %get3A_585, %gather3A_578 : vector<16xf32>
        %div3A_594 = arith.divf %sub3A_593, %select_n3A_592 : vector<16xf32>
        %sub3A_595 = arith.subf %gather3A_583, %gather3A_581 : vector<16xf32>
        %mul3A_596 = arith.mulf %div3A_594, %sub3A_595 : vector<16xf32>
        %add3A_597 = arith.addf %gather3A_581, %mul3A_596 : vector<16xf32>
        %add3A_598 = arith.constant 64 : i32
        %add3A_599 = arith.addi %mul3A_64, %add3A_598 : i32
        %swap3A_600 = arith.index_cast %add3A_599 : i32 to index
        %swap3A_601 = tpu.vector_load %arg8[%swap3A_600] {strides = array<i32>} : memref<16384xf32, #tpu.memory_space<vmem>>, vector<16xf32>,
        tpu.vector_store %arg8[%swap3A_600], %add3A_597 {strides = array<i32>} : memref<16384xf32, #tpu.memory_space<vmem>>, vector<16xf32>,
        %gather3A_602 = tpu.vector_load_idx %arg14[%broadcast_in_dim3A_23] : memref<16xf32, #tpu.memory_space<vmem>>[vector<16xi32>], vector<16xf32>,
        %add3A_603 = arith.addf %masked_cumsum3A_369, %gather3A_602 : vector<16xf32>
        %convert_element_type3A_604 = arith.fptosi %add3A_603 : vector<16xf32> to vector<16xi32>
        %sub3A_605 = arith.constant 1 : i32
        %sub3A_606 = vector.broadcast %sub3A_605 : i32 to vector<16xi32>
        %sub3A_607 = arith.subi %convert_element_type3A_604, %sub3A_606 : vector<16xi32>
        %max3A_608 = arith.constant 0 : i32
        %max3A_609 = vector.broadcast %max3A_608 : i32 to vector<16xi32>
        %max3A_610 = arith.maxsi %sub3A_607, %max3A_609 : vector<16xi32>
        %min3A_611 = arith.constant 127 : i32
        %min3A_612 = vector.broadcast %min3A_611 : i32 to vector<16xi32>
        %min3A_613 = arith.minsi %max3A_610, %min3A_612 : vector<16xi32>
        %max3A_614 = arith.constant 0 : i32
        %max3A_615 = vector.broadcast %max3A_614 : i32 to vector<16xi32>
        %max3A_616 = arith.maxsi %convert_element_type3A_604, %max3A_615 : vector<16xi32>
        %min3A_617 = arith.constant 127 : i32
        %min3A_618 = vector.broadcast %min3A_617 : i32 to vector<16xi32>
        %min3A_619 = arith.minsi %max3A_616, %min3A_618 : vector<16xi32>
        %gather3A_620 = tpu.vector_load_idx %arg10[%min3A_613] : memref<128xf32, #tpu.memory_space<vmem>>[vector<16xi32>], vector<16xf32>,
        %gather3A_621 = tpu.vector_load_idx %arg10[%min3A_619] : memref<128xf32, #tpu.memory_space<vmem>>[vector<16xi32>], vector<16xf32>,
        %add3A_622 = arith.addi %broadcast_in_dim3A_65, %min3A_613 : vector<16xi32>
        %gather3A_623 = tpu.vector_load_idx %arg7[%add3A_622] : memref<16384xf32, #tpu.memory_space<vmem>>[vector<16xi32>], vector<16xf32>,
        %add3A_624 = arith.addi %broadcast_in_dim3A_65, %min3A_619 : vector<16xi32>
        %gather3A_625 = tpu.vector_load_idx %arg7[%add3A_624] : memref<16384xf32, #tpu.memory_space<vmem>>[vector<16xi32>], vector<16xf32>,
        %get3A_626 = arith.constant 112 : index
        %get3A_627 = tpu.vector_load %arg9[%get3A_626] {strides = array<i32>} : memref<160xf32, #tpu.memory_space<vmem>>, vector<16xf32>,
        %sub3A_628 = arith.subf %gather3A_621, %gather3A_620 : vector<16xf32>
        %lt3A_629 = arith.constant 9.99999974E-6 : f32
        %lt3A_630 = vector.broadcast %lt3A_629 : f32 to vector<16xf32>
        %lt3A_631 = arith.cmpf olt, %sub3A_628, %lt3A_630 : vector<16xf32>
        %jit3A_632 = arith.constant 1.000000e+00 : f32
        %broadcast_in_dim3A_633 = vector.broadcast %jit3A_632 : f32 to vector<16xf32>
        %select_n3A_634 = arith.select %lt3A_631, %broadcast_in_dim3A_633, %sub3A_628 : vector<16xi1>, vector<16xf32>
        %sub3A_635 = arith.subf %get3A_627, %gather3A_620 : vector<16xf32>
        %div3A_636 = arith.divf %sub3A_635, %select_n3A_634 : vector<16xf32>
        %sub3A_637 = arith.subf %gather3A_625, %gather3A_623 : vector<16xf32>
        %mul3A_638 = arith.mulf %div3A_636, %sub3A_637 : vector<16xf32>
        %add3A_639 = arith.addf %gather3A_623, %mul3A_638 : vector<16xf32>
        %add3A_640 = arith.constant 80 : i32
        %add3A_641 = arith.addi %mul3A_64, %add3A_640 : i32
        %swap3A_642 = arith.index_cast %add3A_641 : i32 to index
        %swap3A_643 = tpu.vector_load %arg8[%swap3A_642] {strides = array<i32>} : memref<16384xf32, #tpu.memory_space<vmem>>, vector<16xf32>,
        tpu.vector_store %arg8[%swap3A_642], %add3A_639 {strides = array<i32>} : memref<16384xf32, #tpu.memory_space<vmem>>, vector<16xf32>,
        %gather3A_644 = tpu.vector_load_idx %arg14[%broadcast_in_dim3A_25] : memref<16xf32, #tpu.memory_space<vmem>>[vector<16xi32>], vector<16xf32>,
        %add3A_645 = arith.addf %masked_cumsum3A_376, %gather3A_644 : vector<16xf32>
        %convert_element_type3A_646 = arith.fptosi %add3A_645 : vector<16xf32> to vector<16xi32>
        %sub3A_647 = arith.constant 1 : i32
        %sub3A_648 = vector.broadcast %sub3A_647 : i32 to vector<16xi32>
        %sub3A_649 = arith.subi %convert_element_type3A_646, %sub3A_648 : vector<16xi32>
        %max3A_650 = arith.constant 0 : i32
        %max3A_651 = vector.broadcast %max3A_650 : i32 to vector<16xi32>
        %max3A_652 = arith.maxsi %sub3A_649, %max3A_651 : vector<16xi32>
        %min3A_653 = arith.constant 127 : i32
        %min3A_654 = vector.broadcast %min3A_653 : i32 to vector<16xi32>
        %min3A_655 = arith.minsi %max3A_652, %min3A_654 : vector<16xi32>
        %max3A_656 = arith.constant 0 : i32
        %max3A_657 = vector.broadcast %max3A_656 : i32 to vector<16xi32>
        %max3A_658 = arith.maxsi %convert_element_type3A_646, %max3A_657 : vector<16xi32>
        %min3A_659 = arith.constant 127 : i32
        %min3A_660 = vector.broadcast %min3A_659 : i32 to vector<16xi32>
        %min3A_661 = arith.minsi %max3A_658, %min3A_660 : vector<16xi32>
        %gather3A_662 = tpu.vector_load_idx %arg10[%min3A_655] : memref<128xf32, #tpu.memory_space<vmem>>[vector<16xi32>], vector<16xf32>,
        %gather3A_663 = tpu.vector_load_idx %arg10[%min3A_661] : memref<128xf32, #tpu.memory_space<vmem>>[vector<16xi32>], vector<16xf32>,
        %add3A_664 = arith.addi %broadcast_in_dim3A_65, %min3A_655 : vector<16xi32>
        %gather3A_665 = tpu.vector_load_idx %arg7[%add3A_664] : memref<16384xf32, #tpu.memory_space<vmem>>[vector<16xi32>], vector<16xf32>,
        %add3A_666 = arith.addi %broadcast_in_dim3A_65, %min3A_661 : vector<16xi32>
        %gather3A_667 = tpu.vector_load_idx %arg7[%add3A_666] : memref<16384xf32, #tpu.memory_space<vmem>>[vector<16xi32>], vector<16xf32>,
        %get3A_668 = arith.constant 128 : index
        %get3A_669 = tpu.vector_load %arg9[%get3A_668] {strides = array<i32>} : memref<160xf32, #tpu.memory_space<vmem>>, vector<16xf32>,
        %sub3A_670 = arith.subf %gather3A_663, %gather3A_662 : vector<16xf32>
        %lt3A_671 = arith.constant 9.99999974E-6 : f32
        %lt3A_672 = vector.broadcast %lt3A_671 : f32 to vector<16xf32>
        %lt3A_673 = arith.cmpf olt, %sub3A_670, %lt3A_672 : vector<16xf32>
        %jit3A_674 = arith.constant 1.000000e+00 : f32
        %broadcast_in_dim3A_675 = vector.broadcast %jit3A_674 : f32 to vector<16xf32>
        %select_n3A_676 = arith.select %lt3A_673, %broadcast_in_dim3A_675, %sub3A_670 : vector<16xi1>, vector<16xf32>
        %sub3A_677 = arith.subf %get3A_669, %gather3A_662 : vector<16xf32>
        %div3A_678 = arith.divf %sub3A_677, %select_n3A_676 : vector<16xf32>
        %sub3A_679 = arith.subf %gather3A_667, %gather3A_665 : vector<16xf32>
        %mul3A_680 = arith.mulf %div3A_678, %sub3A_679 : vector<16xf32>
        %add3A_681 = arith.addf %gather3A_665, %mul3A_680 : vector<16xf32>
        %add3A_682 = arith.constant 96 : i32
        %add3A_683 = arith.addi %mul3A_64, %add3A_682 : i32
        %swap3A_684 = arith.index_cast %add3A_683 : i32 to index
        %swap3A_685 = tpu.vector_load %arg8[%swap3A_684] {strides = array<i32>} : memref<16384xf32, #tpu.memory_space<vmem>>, vector<16xf32>,
        tpu.vector_store %arg8[%swap3A_684], %add3A_681 {strides = array<i32>} : memref<16384xf32, #tpu.memory_space<vmem>>, vector<16xf32>,
        %gather3A_686 = tpu.vector_load_idx %arg14[%broadcast_in_dim3A_27] : memref<16xf32, #tpu.memory_space<vmem>>[vector<16xi32>], vector<16xf32>,
        %add3A_687 = arith.addf %masked_cumsum3A_383, %gather3A_686 : vector<16xf32>
        %convert_element_type3A_688 = arith.fptosi %add3A_687 : vector<16xf32> to vector<16xi32>
        %sub3A_689 = arith.constant 1 : i32
        %sub3A_690 = vector.broadcast %sub3A_689 : i32 to vector<16xi32>
        %sub3A_691 = arith.subi %convert_element_type3A_688, %sub3A_690 : vector<16xi32>
        %max3A_692 = arith.constant 0 : i32
        %max3A_693 = vector.broadcast %max3A_692 : i32 to vector<16xi32>
        %max3A_694 = arith.maxsi %sub3A_691, %max3A_693 : vector<16xi32>
        %min3A_695 = arith.constant 127 : i32
        %min3A_696 = vector.broadcast %min3A_695 : i32 to vector<16xi32>
        %min3A_697 = arith.minsi %max3A_694, %min3A_696 : vector<16xi32>
        %max3A_698 = arith.constant 0 : i32
        %max3A_699 = vector.broadcast %max3A_698 : i32 to vector<16xi32>
        %max3A_700 = arith.maxsi %convert_element_type3A_688, %max3A_699 : vector<16xi32>
        %min3A_701 = arith.constant 127 : i32
        %min3A_702 = vector.broadcast %min3A_701 : i32 to vector<16xi32>
        %min3A_703 = arith.minsi %max3A_700, %min3A_702 : vector<16xi32>
        %gather3A_704 = tpu.vector_load_idx %arg10[%min3A_697] : memref<128xf32, #tpu.memory_space<vmem>>[vector<16xi32>], vector<16xf32>,
        %gather3A_705 = tpu.vector_load_idx %arg10[%min3A_703] : memref<128xf32, #tpu.memory_space<vmem>>[vector<16xi32>], vector<16xf32>,
        %add3A_706 = arith.addi %broadcast_in_dim3A_65, %min3A_697 : vector<16xi32>
        %gather3A_707 = tpu.vector_load_idx %arg7[%add3A_706] : memref<16384xf32, #tpu.memory_space<vmem>>[vector<16xi32>], vector<16xf32>,
        %add3A_708 = arith.addi %broadcast_in_dim3A_65, %min3A_703 : vector<16xi32>
        %gather3A_709 = tpu.vector_load_idx %arg7[%add3A_708] : memref<16384xf32, #tpu.memory_space<vmem>>[vector<16xi32>], vector<16xf32>,
        %get3A_710 = arith.constant 144 : index
        %get3A_711 = tpu.vector_load %arg9[%get3A_710] {strides = array<i32>} : memref<160xf32, #tpu.memory_space<vmem>>, vector<16xf32>,
        %sub3A_712 = arith.subf %gather3A_705, %gather3A_704 : vector<16xf32>
        %lt3A_713 = arith.constant 9.99999974E-6 : f32
        %lt3A_714 = vector.broadcast %lt3A_713 : f32 to vector<16xf32>
        %lt3A_715 = arith.cmpf olt, %sub3A_712, %lt3A_714 : vector<16xf32>
        %jit3A_716 = arith.constant 1.000000e+00 : f32
        %broadcast_in_dim3A_717 = vector.broadcast %jit3A_716 : f32 to vector<16xf32>
        %select_n3A_718 = arith.select %lt3A_715, %broadcast_in_dim3A_717, %sub3A_712 : vector<16xi1>, vector<16xf32>
        %sub3A_719 = arith.subf %get3A_711, %gather3A_704 : vector<16xf32>
        %div3A_720 = arith.divf %sub3A_719, %select_n3A_718 : vector<16xf32>
        %sub3A_721 = arith.subf %gather3A_709, %gather3A_707 : vector<16xf32>
        %mul3A_722 = arith.mulf %div3A_720, %sub3A_721 : vector<16xf32>
        %add3A_723 = arith.addf %gather3A_707, %mul3A_722 : vector<16xf32>
        %add3A_724 = arith.constant 112 : i32
        %add3A_725 = arith.addi %mul3A_64, %add3A_724 : i32
        %swap3A_726 = arith.index_cast %add3A_725 : i32 to index
        %swap3A_727 = tpu.vector_load %arg8[%swap3A_726] {strides = array<i32>} : memref<16384xf32, #tpu.memory_space<vmem>>, vector<16xf32>,
        tpu.vector_store %arg8[%swap3A_726], %add3A_723 {strides = array<i32>} : memref<16384xf32, #tpu.memory_space<vmem>>, vector<16xf32>,
        %add3A_728 = arith.constant 128 : i32
        %add3A_729 = arith.addi %mul3A_64, %add3A_728 : i32
        %broadcast_in_dim3A_730 = vector.broadcast %add3A_729 : i32 to vector<16xi32>
        %add3A_731 = arith.constant 0 : i32
        %add3A_732 = arith.addi %add3A_729, %add3A_731 : i32
        %get3A_733 = arith.index_cast %add3A_732 : i32 to index
        %get3A_734 = tpu.vector_load %arg6[%get3A_733] {strides = array<i32>} : memref<16384xf32, #tpu.memory_space<vmem>>, vector<16xf32>,
        %add3A_735 = arith.constant 9.99999974E-6 : f32
        %add3A_736 = vector.broadcast %add3A_735 : f32 to vector<16xf32>
        %add3A_737 = arith.addf %get3A_734, %add3A_736 : vector<16xf32>
        %add3A_738 = arith.constant 16 : i32
        %add3A_739 = arith.addi %add3A_729, %add3A_738 : i32
        %get3A_740 = arith.index_cast %add3A_739 : i32 to index
        %get3A_741 = tpu.vector_load %arg6[%get3A_740] {strides = array<i32>} : memref<16384xf32, #tpu.memory_space<vmem>>, vector<16xf32>,
        %add3A_742 = arith.constant 9.99999974E-6 : f32
        %add3A_743 = vector.broadcast %add3A_742 : f32 to vector<16xf32>
        %add3A_744 = arith.addf %get3A_741, %add3A_743 : vector<16xf32>
        %add3A_745 = arith.constant 32 : i32
        %add3A_746 = arith.addi %add3A_729, %add3A_745 : i32
        %get3A_747 = arith.index_cast %add3A_746 : i32 to index
        %get3A_748 = tpu.vector_load %arg6[%get3A_747] {strides = array<i32>} : memref<16384xf32, #tpu.memory_space<vmem>>, vector<16xf32>,
        %add3A_749 = arith.constant 9.99999974E-6 : f32
        %add3A_750 = vector.broadcast %add3A_749 : f32 to vector<16xf32>
        %add3A_751 = arith.addf %get3A_748, %add3A_750 : vector<16xf32>
        %add3A_752 = arith.constant 48 : i32
        %add3A_753 = arith.addi %add3A_729, %add3A_752 : i32
        %get3A_754 = arith.index_cast %add3A_753 : i32 to index
        %get3A_755 = tpu.vector_load %arg6[%get3A_754] {strides = array<i32>} : memref<16384xf32, #tpu.memory_space<vmem>>, vector<16xf32>,
        %add3A_756 = arith.constant 9.99999974E-6 : f32
        %add3A_757 = vector.broadcast %add3A_756 : f32 to vector<16xf32>
        %add3A_758 = arith.addf %get3A_755, %add3A_757 : vector<16xf32>
        %add3A_759 = arith.constant 64 : i32
        %add3A_760 = arith.addi %add3A_729, %add3A_759 : i32
        %get3A_761 = arith.index_cast %add3A_760 : i32 to index
        %get3A_762 = tpu.vector_load %arg6[%get3A_761] {strides = array<i32>} : memref<16384xf32, #tpu.memory_space<vmem>>, vector<16xf32>,
        %add3A_763 = arith.constant 9.99999974E-6 : f32
        %add3A_764 = vector.broadcast %add3A_763 : f32 to vector<16xf32>
        %add3A_765 = arith.addf %get3A_762, %add3A_764 : vector<16xf32>
        %add3A_766 = arith.constant 80 : i32
        %add3A_767 = arith.addi %add3A_729, %add3A_766 : i32
        %get3A_768 = arith.index_cast %add3A_767 : i32 to index
        %get3A_769 = tpu.vector_load %arg6[%get3A_768] {strides = array<i32>} : memref<16384xf32, #tpu.memory_space<vmem>>, vector<16xf32>,
        %add3A_770 = arith.constant 9.99999974E-6 : f32
        %add3A_771 = vector.broadcast %add3A_770 : f32 to vector<16xf32>
        %add3A_772 = arith.addf %get3A_769, %add3A_771 : vector<16xf32>
        %add3A_773 = arith.constant 96 : i32
        %add3A_774 = arith.addi %add3A_729, %add3A_773 : i32
        %get3A_775 = arith.index_cast %add3A_774 : i32 to index
        %get3A_776 = tpu.vector_load %arg6[%get3A_775] {strides = array<i32>} : memref<16384xf32, #tpu.memory_space<vmem>>, vector<16xf32>,
        %add3A_777 = arith.constant 9.99999974E-6 : f32
        %add3A_778 = vector.broadcast %add3A_777 : f32 to vector<16xf32>
        %add3A_779 = arith.addf %get3A_776, %add3A_778 : vector<16xf32>
        %add3A_780 = arith.constant 112 : i32
        %add3A_781 = arith.addi %add3A_729, %add3A_780 : i32
        %get3A_782 = arith.index_cast %add3A_781 : i32 to index
        %get3A_783 = tpu.vector_load %arg6[%get3A_782] {strides = array<i32>} : memref<16384xf32, #tpu.memory_space<vmem>>, vector<16xf32>,
        %add3A_784 = arith.constant 9.99999974E-6 : f32
        %add3A_785 = vector.broadcast %add3A_784 : f32 to vector<16xf32>
        %add3A_786 = arith.addf %get3A_783, %add3A_785 : vector<16xf32>
        %jit3A_787 = arith.constant 0.000000e+00 : f32
        %broadcast_in_dim3A_788 = vector.broadcast %jit3A_787 : f32 to vector<16xf32>
        %select_n3A_789 = arith.select %lt3A_10, %add3A_786, %broadcast_in_dim3A_788 : vector<16xi1>, vector<16xf32>
        %broadcast_in_dim3A_790 = arith.constant true
        %broadcast_in_dim3A_791 = vector.broadcast %broadcast_in_dim3A_790 : i1 to vector<16xi1>
        %masked_cumsum3A_792 = tpu.scan <sum>, %add3A_737 masked %broadcast_in_dim3A_791 : vector<16xf32>, vector<16xi1> -> vector<16xf32>
        %swap3A_793 = arith.constant 0 : index
        %swap3A_794 = tpu.vector_load %arg17[%swap3A_793] {strides = array<i32>} : memref<128xf32, #tpu.memory_space<vmem>>, vector<16xf32>,
        tpu.vector_store %arg17[%swap3A_793], %masked_cumsum3A_792 {strides = array<i32>} : memref<128xf32, #tpu.memory_space<vmem>>, vector<16xf32>,
        %sub3A_795 = arith.subf %masked_cumsum3A_792, %add3A_737 : vector<16xf32>
        %broadcast_in_dim3A_796 = arith.constant true
        %broadcast_in_dim3A_797 = vector.broadcast %broadcast_in_dim3A_796 : i1 to vector<16xi1>
        %masked_cumsum3A_798 = tpu.scan <sum>, %add3A_744 masked %broadcast_in_dim3A_797 : vector<16xf32>, vector<16xi1> -> vector<16xf32>
        %swap3A_799 = arith.constant 16 : index
        %swap3A_800 = tpu.vector_load %arg17[%swap3A_799] {strides = array<i32>} : memref<128xf32, #tpu.memory_space<vmem>>, vector<16xf32>,
        tpu.vector_store %arg17[%swap3A_799], %masked_cumsum3A_798 {strides = array<i32>} : memref<128xf32, #tpu.memory_space<vmem>>, vector<16xf32>,
        %sub3A_801 = arith.subf %masked_cumsum3A_798, %add3A_744 : vector<16xf32>
        %broadcast_in_dim3A_802 = arith.constant true
        %broadcast_in_dim3A_803 = vector.broadcast %broadcast_in_dim3A_802 : i1 to vector<16xi1>
        %masked_cumsum3A_804 = tpu.scan <sum>, %add3A_751 masked %broadcast_in_dim3A_803 : vector<16xf32>, vector<16xi1> -> vector<16xf32>
        %swap3A_805 = arith.constant 32 : index
        %swap3A_806 = tpu.vector_load %arg17[%swap3A_805] {strides = array<i32>} : memref<128xf32, #tpu.memory_space<vmem>>, vector<16xf32>,
        tpu.vector_store %arg17[%swap3A_805], %masked_cumsum3A_804 {strides = array<i32>} : memref<128xf32, #tpu.memory_space<vmem>>, vector<16xf32>,
        %sub3A_807 = arith.subf %masked_cumsum3A_804, %add3A_751 : vector<16xf32>
        %broadcast_in_dim3A_808 = arith.constant true
        %broadcast_in_dim3A_809 = vector.broadcast %broadcast_in_dim3A_808 : i1 to vector<16xi1>
        %masked_cumsum3A_810 = tpu.scan <sum>, %add3A_758 masked %broadcast_in_dim3A_809 : vector<16xf32>, vector<16xi1> -> vector<16xf32>
        %swap3A_811 = arith.constant 48 : index
        %swap3A_812 = tpu.vector_load %arg17[%swap3A_811] {strides = array<i32>} : memref<128xf32, #tpu.memory_space<vmem>>, vector<16xf32>,
        tpu.vector_store %arg17[%swap3A_811], %masked_cumsum3A_810 {strides = array<i32>} : memref<128xf32, #tpu.memory_space<vmem>>, vector<16xf32>,
        %sub3A_813 = arith.subf %masked_cumsum3A_810, %add3A_758 : vector<16xf32>
        %broadcast_in_dim3A_814 = arith.constant true
        %broadcast_in_dim3A_815 = vector.broadcast %broadcast_in_dim3A_814 : i1 to vector<16xi1>
        %masked_cumsum3A_816 = tpu.scan <sum>, %add3A_765 masked %broadcast_in_dim3A_815 : vector<16xf32>, vector<16xi1> -> vector<16xf32>
        %swap3A_817 = arith.constant 64 : index
        %swap3A_818 = tpu.vector_load %arg17[%swap3A_817] {strides = array<i32>} : memref<128xf32, #tpu.memory_space<vmem>>, vector<16xf32>,
        tpu.vector_store %arg17[%swap3A_817], %masked_cumsum3A_816 {strides = array<i32>} : memref<128xf32, #tpu.memory_space<vmem>>, vector<16xf32>,
        %sub3A_819 = arith.subf %masked_cumsum3A_816, %add3A_765 : vector<16xf32>
        %broadcast_in_dim3A_820 = arith.constant true
        %broadcast_in_dim3A_821 = vector.broadcast %broadcast_in_dim3A_820 : i1 to vector<16xi1>
        %masked_cumsum3A_822 = tpu.scan <sum>, %add3A_772 masked %broadcast_in_dim3A_821 : vector<16xf32>, vector<16xi1> -> vector<16xf32>
        %swap3A_823 = arith.constant 80 : index
        %swap3A_824 = tpu.vector_load %arg17[%swap3A_823] {strides = array<i32>} : memref<128xf32, #tpu.memory_space<vmem>>, vector<16xf32>,
        tpu.vector_store %arg17[%swap3A_823], %masked_cumsum3A_822 {strides = array<i32>} : memref<128xf32, #tpu.memory_space<vmem>>, vector<16xf32>,
        %sub3A_825 = arith.subf %masked_cumsum3A_822, %add3A_772 : vector<16xf32>
        %broadcast_in_dim3A_826 = arith.constant true
        %broadcast_in_dim3A_827 = vector.broadcast %broadcast_in_dim3A_826 : i1 to vector<16xi1>
        %masked_cumsum3A_828 = tpu.scan <sum>, %add3A_779 masked %broadcast_in_dim3A_827 : vector<16xf32>, vector<16xi1> -> vector<16xf32>
        %swap3A_829 = arith.constant 96 : index
        %swap3A_830 = tpu.vector_load %arg17[%swap3A_829] {strides = array<i32>} : memref<128xf32, #tpu.memory_space<vmem>>, vector<16xf32>,
        tpu.vector_store %arg17[%swap3A_829], %masked_cumsum3A_828 {strides = array<i32>} : memref<128xf32, #tpu.memory_space<vmem>>, vector<16xf32>,
        %sub3A_831 = arith.subf %masked_cumsum3A_828, %add3A_779 : vector<16xf32>
        %broadcast_in_dim3A_832 = arith.constant true
        %broadcast_in_dim3A_833 = vector.broadcast %broadcast_in_dim3A_832 : i1 to vector<16xi1>
        %masked_cumsum3A_834 = tpu.scan <sum>, %select_n3A_789 masked %broadcast_in_dim3A_833 : vector<16xf32>, vector<16xi1> -> vector<16xf32>
        %swap3A_835 = arith.constant 112 : index
        %swap3A_836 = tpu.vector_load %arg17[%swap3A_835] {strides = array<i32>} : memref<128xf32, #tpu.memory_space<vmem>>, vector<16xf32>,
        tpu.vector_store %arg17[%swap3A_835], %masked_cumsum3A_834 {strides = array<i32>} : memref<128xf32, #tpu.memory_space<vmem>>, vector<16xf32>,
        %sub3A_837 = arith.subf %masked_cumsum3A_834, %select_n3A_789 : vector<16xf32>
        %gather3A_838 = tpu.vector_load_idx %arg17[%add3A_8] : memref<128xf32, #tpu.memory_space<vmem>>[vector<16xi32>], vector<16xf32>,
        %broadcast_in_dim3A_839 = arith.constant true
        %broadcast_in_dim3A_840 = vector.broadcast %broadcast_in_dim3A_839 : i1 to vector<16xi1>
        %masked_cumsum3A_841 = tpu.scan <sum>, %gather3A_838 masked %broadcast_in_dim3A_840 : vector<16xf32>, vector<16xi1> -> vector<16xf32>
        %sub3A_842 = arith.subf %masked_cumsum3A_841, %gather3A_838 : vector<16xf32>
        %swap3A_843 = arith.constant 0 : index
        %swap3A_844 = tpu.vector_load %arg19[%swap3A_843] {strides = array<i32>} : memref<32xf32, #tpu.memory_space<vmem>>, vector<16xf32>,
        tpu.vector_store %arg19[%swap3A_843], %sub3A_842 {strides = array<i32>} : memref<32xf32, #tpu.memory_space<vmem>>, vector<16xf32>,
        %swap3A_845 = arith.constant 16 : index
        %swap3A_846 = tpu.vector_load %arg19[%swap3A_845] {strides = array<i32>} : memref<32xf32, #tpu.memory_space<vmem>>, vector<16xf32>,
        tpu.vector_store %arg19[%swap3A_845], %masked_cumsum3A_841 {strides = array<i32>} : memref<32xf32, #tpu.memory_space<vmem>>, vector<16xf32>,
        %gather3A_847 = tpu.vector_load_idx %arg19[%broadcast_in_dim3A_29] : memref<32xf32, #tpu.memory_space<vmem>>[vector<16xi32>], vector<16xf32>,
        %div3A_848 = arith.constant 1.000000e+00 : f32
        %div3A_849 = vector.broadcast %div3A_848 : f32 to vector<16xf32>
        %div3A_850 = arith.divf %div3A_849, %gather3A_847 : vector<16xf32>
        %swap3A_851 = arith.constant 0 : index
        %swap3A_852 = tpu.vector_load %arg21[%swap3A_851] {strides = array<i32>} : memref<144xf32, #tpu.memory_space<vmem>>, vector<16xf32>,
        tpu.vector_store %arg21[%swap3A_851], %broadcast_in_dim3A_13 {strides = array<i32>} : memref<144xf32, #tpu.memory_space<vmem>>, vector<16xf32>,
        %swap3A_853 = arith.constant 16 : index
        %swap3A_854 = tpu.vector_load %arg21[%swap3A_853] {strides = array<i32>} : memref<144xf32, #tpu.memory_space<vmem>>, vector<16xf32>,
        tpu.vector_store %arg21[%swap3A_853], %broadcast_in_dim3A_13 {strides = array<i32>} : memref<144xf32, #tpu.memory_space<vmem>>, vector<16xf32>,
        %swap3A_855 = arith.constant 32 : index
        %swap3A_856 = tpu.vector_load %arg21[%swap3A_855] {strides = array<i32>} : memref<144xf32, #tpu.memory_space<vmem>>, vector<16xf32>,
        tpu.vector_store %arg21[%swap3A_855], %broadcast_in_dim3A_13 {strides = array<i32>} : memref<144xf32, #tpu.memory_space<vmem>>, vector<16xf32>,
        %swap3A_857 = arith.constant 48 : index
        %swap3A_858 = tpu.vector_load %arg21[%swap3A_857] {strides = array<i32>} : memref<144xf32, #tpu.memory_space<vmem>>, vector<16xf32>,
        tpu.vector_store %arg21[%swap3A_857], %broadcast_in_dim3A_13 {strides = array<i32>} : memref<144xf32, #tpu.memory_space<vmem>>, vector<16xf32>,
        %swap3A_859 = arith.constant 64 : index
        %swap3A_860 = tpu.vector_load %arg21[%swap3A_859] {strides = array<i32>} : memref<144xf32, #tpu.memory_space<vmem>>, vector<16xf32>,
        tpu.vector_store %arg21[%swap3A_859], %broadcast_in_dim3A_13 {strides = array<i32>} : memref<144xf32, #tpu.memory_space<vmem>>, vector<16xf32>,
        %swap3A_861 = arith.constant 80 : index
        %swap3A_862 = tpu.vector_load %arg21[%swap3A_861] {strides = array<i32>} : memref<144xf32, #tpu.memory_space<vmem>>, vector<16xf32>,
        tpu.vector_store %arg21[%swap3A_861], %broadcast_in_dim3A_13 {strides = array<i32>} : memref<144xf32, #tpu.memory_space<vmem>>, vector<16xf32>,
        %swap3A_863 = arith.constant 96 : index
        %swap3A_864 = tpu.vector_load %arg21[%swap3A_863] {strides = array<i32>} : memref<144xf32, #tpu.memory_space<vmem>>, vector<16xf32>,
        tpu.vector_store %arg21[%swap3A_863], %broadcast_in_dim3A_13 {strides = array<i32>} : memref<144xf32, #tpu.memory_space<vmem>>, vector<16xf32>,
        %swap3A_865 = arith.constant 112 : index
        %swap3A_866 = tpu.vector_load %arg21[%swap3A_865] {strides = array<i32>} : memref<144xf32, #tpu.memory_space<vmem>>, vector<16xf32>,
        tpu.vector_store %arg21[%swap3A_865], %broadcast_in_dim3A_13 {strides = array<i32>} : memref<144xf32, #tpu.memory_space<vmem>>, vector<16xf32>,
        %swap3A_867 = arith.constant 128 : index
        %swap3A_868 = tpu.vector_load %arg21[%swap3A_867] {strides = array<i32>} : memref<144xf32, #tpu.memory_space<vmem>>, vector<16xf32>,
        tpu.vector_store %arg21[%swap3A_867], %broadcast_in_dim3A_13 {strides = array<i32>} : memref<144xf32, #tpu.memory_space<vmem>>, vector<16xf32>,
        %add3A_869 = arith.addf %sub3A_795, %broadcast_in_dim3A_13 : vector<16xf32>
        %mul3A_870 = arith.mulf %add3A_869, %div3A_850 : vector<16xf32>
        %swap3A_871 = arith.constant 0 : index
        %swap3A_872 = tpu.vector_load %arg16[%swap3A_871] {strides = array<i32>} : memref<128xf32, #tpu.memory_space<vmem>>, vector<16xf32>,
        tpu.vector_store %arg16[%swap3A_871], %mul3A_870 {strides = array<i32>} : memref<128xf32, #tpu.memory_space<vmem>>, vector<16xf32>,
        %sub3A_873 = arith.subf %mul3A_870, %get3A_30 : vector<16xf32>
        %mul3A_874 = arith.mulf %sub3A_873, %get3A_32 : vector<16xf32>
        %add3A_875 = arith.constant 1.000000e+00 : f32
        %add3A_876 = vector.broadcast %add3A_875 : f32 to vector<16xf32>
        %add3A_877 = arith.addf %mul3A_874, %add3A_876 : vector<16xf32>
        %convert_element_type3A_878 = arith.fptosi %add3A_877 : vector<16xf32> to vector<16xi32>
        %max3A_879 = arith.constant 0 : i32
        %max3A_880 = vector.broadcast %max3A_879 : i32 to vector<16xi32>
        %max3A_881 = arith.maxsi %convert_element_type3A_878, %max3A_880 : vector<16xi32>
        %min3A_882 = arith.constant 128 : i32
        %min3A_883 = vector.broadcast %min3A_882 : i32 to vector<16xi32>
        %min3A_884 = arith.minsi %max3A_881, %min3A_883 : vector<16xi32>
        tpu.vector_store_idx %arg21[%min3A_884], %broadcast_in_dim3A_11 {add = true} : memref<144xf32, #tpu.memory_space<vmem>>[vector<16xi32>], vector<16xf32>,
        %gather3A_885 = tpu.vector_load_idx %arg19[%broadcast_in_dim3A_15] : memref<32xf32, #tpu.memory_space<vmem>>[vector<16xi32>], vector<16xf32>,
        %add3A_886 = arith.addf %sub3A_801, %gather3A_885 : vector<16xf32>
        %mul3A_887 = arith.mulf %add3A_886, %div3A_850 : vector<16xf32>
        %swap3A_888 = arith.constant 16 : index
        %swap3A_889 = tpu.vector_load %arg16[%swap3A_888] {strides = array<i32>} : memref<128xf32, #tpu.memory_space<vmem>>, vector<16xf32>,
        tpu.vector_store %arg16[%swap3A_888], %mul3A_887 {strides = array<i32>} : memref<128xf32, #tpu.memory_space<vmem>>, vector<16xf32>,
        %sub3A_890 = arith.subf %mul3A_887, %get3A_30 : vector<16xf32>
        %mul3A_891 = arith.mulf %sub3A_890, %get3A_32 : vector<16xf32>
        %add3A_892 = arith.constant 1.000000e+00 : f32
        %add3A_893 = vector.broadcast %add3A_892 : f32 to vector<16xf32>
        %add3A_894 = arith.addf %mul3A_891, %add3A_893 : vector<16xf32>
        %convert_element_type3A_895 = arith.fptosi %add3A_894 : vector<16xf32> to vector<16xi32>
        %max3A_896 = arith.constant 0 : i32
        %max3A_897 = vector.broadcast %max3A_896 : i32 to vector<16xi32>
        %max3A_898 = arith.maxsi %convert_element_type3A_895, %max3A_897 : vector<16xi32>
        %min3A_899 = arith.constant 128 : i32
        %min3A_900 = vector.broadcast %min3A_899 : i32 to vector<16xi32>
        %min3A_901 = arith.minsi %max3A_898, %min3A_900 : vector<16xi32>
        tpu.vector_store_idx %arg21[%min3A_901], %broadcast_in_dim3A_11 {add = true} : memref<144xf32, #tpu.memory_space<vmem>>[vector<16xi32>], vector<16xf32>,
        %gather3A_902 = tpu.vector_load_idx %arg19[%broadcast_in_dim3A_17] : memref<32xf32, #tpu.memory_space<vmem>>[vector<16xi32>], vector<16xf32>,
        %add3A_903 = arith.addf %sub3A_807, %gather3A_902 : vector<16xf32>
        %mul3A_904 = arith.mulf %add3A_903, %div3A_850 : vector<16xf32>
        %swap3A_905 = arith.constant 32 : index
        %swap3A_906 = tpu.vector_load %arg16[%swap3A_905] {strides = array<i32>} : memref<128xf32, #tpu.memory_space<vmem>>, vector<16xf32>,
        tpu.vector_store %arg16[%swap3A_905], %mul3A_904 {strides = array<i32>} : memref<128xf32, #tpu.memory_space<vmem>>, vector<16xf32>,
        %sub3A_907 = arith.subf %mul3A_904, %get3A_30 : vector<16xf32>
        %mul3A_908 = arith.mulf %sub3A_907, %get3A_32 : vector<16xf32>
        %add3A_909 = arith.constant 1.000000e+00 : f32
        %add3A_910 = vector.broadcast %add3A_909 : f32 to vector<16xf32>
        %add3A_911 = arith.addf %mul3A_908, %add3A_910 : vector<16xf32>
        %convert_element_type3A_912 = arith.fptosi %add3A_911 : vector<16xf32> to vector<16xi32>
        %max3A_913 = arith.constant 0 : i32
        %max3A_914 = vector.broadcast %max3A_913 : i32 to vector<16xi32>
        %max3A_915 = arith.maxsi %convert_element_type3A_912, %max3A_914 : vector<16xi32>
        %min3A_916 = arith.constant 128 : i32
        %min3A_917 = vector.broadcast %min3A_916 : i32 to vector<16xi32>
        %min3A_918 = arith.minsi %max3A_915, %min3A_917 : vector<16xi32>
        tpu.vector_store_idx %arg21[%min3A_918], %broadcast_in_dim3A_11 {add = true} : memref<144xf32, #tpu.memory_space<vmem>>[vector<16xi32>], vector<16xf32>,
        %gather3A_919 = tpu.vector_load_idx %arg19[%broadcast_in_dim3A_19] : memref<32xf32, #tpu.memory_space<vmem>>[vector<16xi32>], vector<16xf32>,
        %add3A_920 = arith.addf %sub3A_813, %gather3A_919 : vector<16xf32>
        %mul3A_921 = arith.mulf %add3A_920, %div3A_850 : vector<16xf32>
        %swap3A_922 = arith.constant 48 : index
        %swap3A_923 = tpu.vector_load %arg16[%swap3A_922] {strides = array<i32>} : memref<128xf32, #tpu.memory_space<vmem>>, vector<16xf32>,
        tpu.vector_store %arg16[%swap3A_922], %mul3A_921 {strides = array<i32>} : memref<128xf32, #tpu.memory_space<vmem>>, vector<16xf32>,
        %sub3A_924 = arith.subf %mul3A_921, %get3A_30 : vector<16xf32>
        %mul3A_925 = arith.mulf %sub3A_924, %get3A_32 : vector<16xf32>
        %add3A_926 = arith.constant 1.000000e+00 : f32
        %add3A_927 = vector.broadcast %add3A_926 : f32 to vector<16xf32>
        %add3A_928 = arith.addf %mul3A_925, %add3A_927 : vector<16xf32>
        %convert_element_type3A_929 = arith.fptosi %add3A_928 : vector<16xf32> to vector<16xi32>
        %max3A_930 = arith.constant 0 : i32
        %max3A_931 = vector.broadcast %max3A_930 : i32 to vector<16xi32>
        %max3A_932 = arith.maxsi %convert_element_type3A_929, %max3A_931 : vector<16xi32>
        %min3A_933 = arith.constant 128 : i32
        %min3A_934 = vector.broadcast %min3A_933 : i32 to vector<16xi32>
        %min3A_935 = arith.minsi %max3A_932, %min3A_934 : vector<16xi32>
        tpu.vector_store_idx %arg21[%min3A_935], %broadcast_in_dim3A_11 {add = true} : memref<144xf32, #tpu.memory_space<vmem>>[vector<16xi32>], vector<16xf32>,
        %gather3A_936 = tpu.vector_load_idx %arg19[%broadcast_in_dim3A_21] : memref<32xf32, #tpu.memory_space<vmem>>[vector<16xi32>], vector<16xf32>,
        %add3A_937 = arith.addf %sub3A_819, %gather3A_936 : vector<16xf32>
        %mul3A_938 = arith.mulf %add3A_937, %div3A_850 : vector<16xf32>
        %swap3A_939 = arith.constant 64 : index
        %swap3A_940 = tpu.vector_load %arg16[%swap3A_939] {strides = array<i32>} : memref<128xf32, #tpu.memory_space<vmem>>, vector<16xf32>,
        tpu.vector_store %arg16[%swap3A_939], %mul3A_938 {strides = array<i32>} : memref<128xf32, #tpu.memory_space<vmem>>, vector<16xf32>,
        %sub3A_941 = arith.subf %mul3A_938, %get3A_30 : vector<16xf32>
        %mul3A_942 = arith.mulf %sub3A_941, %get3A_32 : vector<16xf32>
        %add3A_943 = arith.constant 1.000000e+00 : f32
        %add3A_944 = vector.broadcast %add3A_943 : f32 to vector<16xf32>
        %add3A_945 = arith.addf %mul3A_942, %add3A_944 : vector<16xf32>
        %convert_element_type3A_946 = arith.fptosi %add3A_945 : vector<16xf32> to vector<16xi32>
        %max3A_947 = arith.constant 0 : i32
        %max3A_948 = vector.broadcast %max3A_947 : i32 to vector<16xi32>
        %max3A_949 = arith.maxsi %convert_element_type3A_946, %max3A_948 : vector<16xi32>
        %min3A_950 = arith.constant 128 : i32
        %min3A_951 = vector.broadcast %min3A_950 : i32 to vector<16xi32>
        %min3A_952 = arith.minsi %max3A_949, %min3A_951 : vector<16xi32>
        tpu.vector_store_idx %arg21[%min3A_952], %broadcast_in_dim3A_11 {add = true} : memref<144xf32, #tpu.memory_space<vmem>>[vector<16xi32>], vector<16xf32>,
        %gather3A_953 = tpu.vector_load_idx %arg19[%broadcast_in_dim3A_23] : memref<32xf32, #tpu.memory_space<vmem>>[vector<16xi32>], vector<16xf32>,
        %add3A_954 = arith.addf %sub3A_825, %gather3A_953 : vector<16xf32>
        %mul3A_955 = arith.mulf %add3A_954, %div3A_850 : vector<16xf32>
        %swap3A_956 = arith.constant 80 : index
        %swap3A_957 = tpu.vector_load %arg16[%swap3A_956] {strides = array<i32>} : memref<128xf32, #tpu.memory_space<vmem>>, vector<16xf32>,
        tpu.vector_store %arg16[%swap3A_956], %mul3A_955 {strides = array<i32>} : memref<128xf32, #tpu.memory_space<vmem>>, vector<16xf32>,
        %sub3A_958 = arith.subf %mul3A_955, %get3A_30 : vector<16xf32>
        %mul3A_959 = arith.mulf %sub3A_958, %get3A_32 : vector<16xf32>
        %add3A_960 = arith.constant 1.000000e+00 : f32
        %add3A_961 = vector.broadcast %add3A_960 : f32 to vector<16xf32>
        %add3A_962 = arith.addf %mul3A_959, %add3A_961 : vector<16xf32>
        %convert_element_type3A_963 = arith.fptosi %add3A_962 : vector<16xf32> to vector<16xi32>
        %max3A_964 = arith.constant 0 : i32
        %max3A_965 = vector.broadcast %max3A_964 : i32 to vector<16xi32>
        %max3A_966 = arith.maxsi %convert_element_type3A_963, %max3A_965 : vector<16xi32>
        %min3A_967 = arith.constant 128 : i32
        %min3A_968 = vector.broadcast %min3A_967 : i32 to vector<16xi32>
        %min3A_969 = arith.minsi %max3A_966, %min3A_968 : vector<16xi32>
        tpu.vector_store_idx %arg21[%min3A_969], %broadcast_in_dim3A_11 {add = true} : memref<144xf32, #tpu.memory_space<vmem>>[vector<16xi32>], vector<16xf32>,
        %gather3A_970 = tpu.vector_load_idx %arg19[%broadcast_in_dim3A_25] : memref<32xf32, #tpu.memory_space<vmem>>[vector<16xi32>], vector<16xf32>,
        %add3A_971 = arith.addf %sub3A_831, %gather3A_970 : vector<16xf32>
        %mul3A_972 = arith.mulf %add3A_971, %div3A_850 : vector<16xf32>
        %swap3A_973 = arith.constant 96 : index
        %swap3A_974 = tpu.vector_load %arg16[%swap3A_973] {strides = array<i32>} : memref<128xf32, #tpu.memory_space<vmem>>, vector<16xf32>,
        tpu.vector_store %arg16[%swap3A_973], %mul3A_972 {strides = array<i32>} : memref<128xf32, #tpu.memory_space<vmem>>, vector<16xf32>,
        %sub3A_975 = arith.subf %mul3A_972, %get3A_30 : vector<16xf32>
        %mul3A_976 = arith.mulf %sub3A_975, %get3A_32 : vector<16xf32>
        %add3A_977 = arith.constant 1.000000e+00 : f32
        %add3A_978 = vector.broadcast %add3A_977 : f32 to vector<16xf32>
        %add3A_979 = arith.addf %mul3A_976, %add3A_978 : vector<16xf32>
        %convert_element_type3A_980 = arith.fptosi %add3A_979 : vector<16xf32> to vector<16xi32>
        %max3A_981 = arith.constant 0 : i32
        %max3A_982 = vector.broadcast %max3A_981 : i32 to vector<16xi32>
        %max3A_983 = arith.maxsi %convert_element_type3A_980, %max3A_982 : vector<16xi32>
        %min3A_984 = arith.constant 128 : i32
        %min3A_985 = vector.broadcast %min3A_984 : i32 to vector<16xi32>
        %min3A_986 = arith.minsi %max3A_983, %min3A_985 : vector<16xi32>
        tpu.vector_store_idx %arg21[%min3A_986], %broadcast_in_dim3A_11 {add = true} : memref<144xf32, #tpu.memory_space<vmem>>[vector<16xi32>], vector<16xf32>,
        %gather3A_987 = tpu.vector_load_idx %arg19[%broadcast_in_dim3A_27] : memref<32xf32, #tpu.memory_space<vmem>>[vector<16xi32>], vector<16xf32>,
        %add3A_988 = arith.addf %sub3A_837, %gather3A_987 : vector<16xf32>
        %mul3A_989 = arith.mulf %add3A_988, %div3A_850 : vector<16xf32>
        %swap3A_990 = arith.constant 112 : index
        %swap3A_991 = tpu.vector_load %arg16[%swap3A_990] {strides = array<i32>} : memref<128xf32, #tpu.memory_space<vmem>>, vector<16xf32>,
        tpu.vector_store %arg16[%swap3A_990], %mul3A_989 {strides = array<i32>} : memref<128xf32, #tpu.memory_space<vmem>>, vector<16xf32>,
        %sub3A_992 = arith.subf %mul3A_989, %get3A_30 : vector<16xf32>
        %mul3A_993 = arith.mulf %sub3A_992, %get3A_32 : vector<16xf32>
        %add3A_994 = arith.constant 1.000000e+00 : f32
        %add3A_995 = vector.broadcast %add3A_994 : f32 to vector<16xf32>
        %add3A_996 = arith.addf %mul3A_993, %add3A_995 : vector<16xf32>
        %convert_element_type3A_997 = arith.fptosi %add3A_996 : vector<16xf32> to vector<16xi32>
        %max3A_998 = arith.constant 0 : i32
        %max3A_999 = vector.broadcast %max3A_998 : i32 to vector<16xi32>
        %max3A_1000 = arith.maxsi %convert_element_type3A_997, %max3A_999 : vector<16xi32>
        %min3A_1001 = arith.constant 128 : i32
        %min3A_1002 = vector.broadcast %min3A_1001 : i32 to vector<16xi32>
        %min3A_1003 = arith.minsi %max3A_1000, %min3A_1002 : vector<16xi32>
        tpu.vector_store_idx %arg21[%min3A_1003], %broadcast_in_dim3A_11 {add = true} : memref<144xf32, #tpu.memory_space<vmem>>[vector<16xi32>], vector<16xf32>,
        %get3A_1004 = arith.constant 0 : index
        %get3A_1005 = tpu.vector_load %arg21[%get3A_1004] {strides = array<i32>} : memref<144xf32, #tpu.memory_space<vmem>>, vector<16xf32>,
        %broadcast_in_dim3A_1006 = arith.constant true
        %broadcast_in_dim3A_1007 = vector.broadcast %broadcast_in_dim3A_1006 : i1 to vector<16xi1>
        %masked_cumsum3A_1008 = tpu.scan <sum>, %get3A_1005 masked %broadcast_in_dim3A_1007 : vector<16xf32>, vector<16xi1> -> vector<16xf32>
        %swap3A_1009 = arith.constant 0 : index
        %swap3A_1010 = tpu.vector_load %arg18[%swap3A_1009] {strides = array<i32>} : memref<128xf32, #tpu.memory_space<vmem>>, vector<16xf32>,
        tpu.vector_store %arg18[%swap3A_1009], %masked_cumsum3A_1008 {strides = array<i32>} : memref<128xf32, #tpu.memory_space<vmem>>, vector<16xf32>,
        %get3A_1011 = arith.constant 16 : index
        %get3A_1012 = tpu.vector_load %arg21[%get3A_1011] {strides = array<i32>} : memref<144xf32, #tpu.memory_space<vmem>>, vector<16xf32>,
        %broadcast_in_dim3A_1013 = arith.constant true
        %broadcast_in_dim3A_1014 = vector.broadcast %broadcast_in_dim3A_1013 : i1 to vector<16xi1>
        %masked_cumsum3A_1015 = tpu.scan <sum>, %get3A_1012 masked %broadcast_in_dim3A_1014 : vector<16xf32>, vector<16xi1> -> vector<16xf32>
        %swap3A_1016 = arith.constant 16 : index
        %swap3A_1017 = tpu.vector_load %arg18[%swap3A_1016] {strides = array<i32>} : memref<128xf32, #tpu.memory_space<vmem>>, vector<16xf32>,
        tpu.vector_store %arg18[%swap3A_1016], %masked_cumsum3A_1015 {strides = array<i32>} : memref<128xf32, #tpu.memory_space<vmem>>, vector<16xf32>,
        %get3A_1018 = arith.constant 32 : index
        %get3A_1019 = tpu.vector_load %arg21[%get3A_1018] {strides = array<i32>} : memref<144xf32, #tpu.memory_space<vmem>>, vector<16xf32>,
        %broadcast_in_dim3A_1020 = arith.constant true
        %broadcast_in_dim3A_1021 = vector.broadcast %broadcast_in_dim3A_1020 : i1 to vector<16xi1>
        %masked_cumsum3A_1022 = tpu.scan <sum>, %get3A_1019 masked %broadcast_in_dim3A_1021 : vector<16xf32>, vector<16xi1> -> vector<16xf32>
        %swap3A_1023 = arith.constant 32 : index
        %swap3A_1024 = tpu.vector_load %arg18[%swap3A_1023] {strides = array<i32>} : memref<128xf32, #tpu.memory_space<vmem>>, vector<16xf32>,
        tpu.vector_store %arg18[%swap3A_1023], %masked_cumsum3A_1022 {strides = array<i32>} : memref<128xf32, #tpu.memory_space<vmem>>, vector<16xf32>,
        %get3A_1025 = arith.constant 48 : index
        %get3A_1026 = tpu.vector_load %arg21[%get3A_1025] {strides = array<i32>} : memref<144xf32, #tpu.memory_space<vmem>>, vector<16xf32>,
        %broadcast_in_dim3A_1027 = arith.constant true
        %broadcast_in_dim3A_1028 = vector.broadcast %broadcast_in_dim3A_1027 : i1 to vector<16xi1>
        %masked_cumsum3A_1029 = tpu.scan <sum>, %get3A_1026 masked %broadcast_in_dim3A_1028 : vector<16xf32>, vector<16xi1> -> vector<16xf32>
        %swap3A_1030 = arith.constant 48 : index
        %swap3A_1031 = tpu.vector_load %arg18[%swap3A_1030] {strides = array<i32>} : memref<128xf32, #tpu.memory_space<vmem>>, vector<16xf32>,
        tpu.vector_store %arg18[%swap3A_1030], %masked_cumsum3A_1029 {strides = array<i32>} : memref<128xf32, #tpu.memory_space<vmem>>, vector<16xf32>,
        %get3A_1032 = arith.constant 64 : index
        %get3A_1033 = tpu.vector_load %arg21[%get3A_1032] {strides = array<i32>} : memref<144xf32, #tpu.memory_space<vmem>>, vector<16xf32>,
        %broadcast_in_dim3A_1034 = arith.constant true
        %broadcast_in_dim3A_1035 = vector.broadcast %broadcast_in_dim3A_1034 : i1 to vector<16xi1>
        %masked_cumsum3A_1036 = tpu.scan <sum>, %get3A_1033 masked %broadcast_in_dim3A_1035 : vector<16xf32>, vector<16xi1> -> vector<16xf32>
        %swap3A_1037 = arith.constant 64 : index
        %swap3A_1038 = tpu.vector_load %arg18[%swap3A_1037] {strides = array<i32>} : memref<128xf32, #tpu.memory_space<vmem>>, vector<16xf32>,
        tpu.vector_store %arg18[%swap3A_1037], %masked_cumsum3A_1036 {strides = array<i32>} : memref<128xf32, #tpu.memory_space<vmem>>, vector<16xf32>,
        %get3A_1039 = arith.constant 80 : index
        %get3A_1040 = tpu.vector_load %arg21[%get3A_1039] {strides = array<i32>} : memref<144xf32, #tpu.memory_space<vmem>>, vector<16xf32>,
        %broadcast_in_dim3A_1041 = arith.constant true
        %broadcast_in_dim3A_1042 = vector.broadcast %broadcast_in_dim3A_1041 : i1 to vector<16xi1>
        %masked_cumsum3A_1043 = tpu.scan <sum>, %get3A_1040 masked %broadcast_in_dim3A_1042 : vector<16xf32>, vector<16xi1> -> vector<16xf32>
        %swap3A_1044 = arith.constant 80 : index
        %swap3A_1045 = tpu.vector_load %arg18[%swap3A_1044] {strides = array<i32>} : memref<128xf32, #tpu.memory_space<vmem>>, vector<16xf32>,
        tpu.vector_store %arg18[%swap3A_1044], %masked_cumsum3A_1043 {strides = array<i32>} : memref<128xf32, #tpu.memory_space<vmem>>, vector<16xf32>,
        %get3A_1046 = arith.constant 96 : index
        %get3A_1047 = tpu.vector_load %arg21[%get3A_1046] {strides = array<i32>} : memref<144xf32, #tpu.memory_space<vmem>>, vector<16xf32>,
        %broadcast_in_dim3A_1048 = arith.constant true
        %broadcast_in_dim3A_1049 = vector.broadcast %broadcast_in_dim3A_1048 : i1 to vector<16xi1>
        %masked_cumsum3A_1050 = tpu.scan <sum>, %get3A_1047 masked %broadcast_in_dim3A_1049 : vector<16xf32>, vector<16xi1> -> vector<16xf32>
        %swap3A_1051 = arith.constant 96 : index
        %swap3A_1052 = tpu.vector_load %arg18[%swap3A_1051] {strides = array<i32>} : memref<128xf32, #tpu.memory_space<vmem>>, vector<16xf32>,
        tpu.vector_store %arg18[%swap3A_1051], %masked_cumsum3A_1050 {strides = array<i32>} : memref<128xf32, #tpu.memory_space<vmem>>, vector<16xf32>,
        %get3A_1053 = arith.constant 112 : index
        %get3A_1054 = tpu.vector_load %arg21[%get3A_1053] {strides = array<i32>} : memref<144xf32, #tpu.memory_space<vmem>>, vector<16xf32>,
        %broadcast_in_dim3A_1055 = arith.constant true
        %broadcast_in_dim3A_1056 = vector.broadcast %broadcast_in_dim3A_1055 : i1 to vector<16xi1>
        %masked_cumsum3A_1057 = tpu.scan <sum>, %get3A_1054 masked %broadcast_in_dim3A_1056 : vector<16xf32>, vector<16xi1> -> vector<16xf32>
        %swap3A_1058 = arith.constant 112 : index
        %swap3A_1059 = tpu.vector_load %arg18[%swap3A_1058] {strides = array<i32>} : memref<128xf32, #tpu.memory_space<vmem>>, vector<16xf32>,
        tpu.vector_store %arg18[%swap3A_1058], %masked_cumsum3A_1057 {strides = array<i32>} : memref<128xf32, #tpu.memory_space<vmem>>, vector<16xf32>,
        %gather3A_1060 = tpu.vector_load_idx %arg18[%add3A_8] : memref<128xf32, #tpu.memory_space<vmem>>[vector<16xi32>], vector<16xf32>,
        %broadcast_in_dim3A_1061 = arith.constant true
        %broadcast_in_dim3A_1062 = vector.broadcast %broadcast_in_dim3A_1061 : i1 to vector<16xi1>
        %masked_cumsum3A_1063 = tpu.scan <sum>, %gather3A_1060 masked %broadcast_in_dim3A_1062 : vector<16xf32>, vector<16xi1> -> vector<16xf32>
        %sub3A_1064 = arith.subf %masked_cumsum3A_1063, %gather3A_1060 : vector<16xf32>
        %swap3A_1065 = arith.constant 0 : index
        %swap3A_1066 = tpu.vector_load %arg20[%swap3A_1065] {strides = array<i32>} : memref<16xf32, #tpu.memory_space<vmem>>, vector<16xf32>,
        tpu.vector_store %arg20[%swap3A_1065], %sub3A_1064 {strides = array<i32>} : memref<16xf32, #tpu.memory_space<vmem>>, vector<16xf32>,
        %add3A_1067 = arith.addf %masked_cumsum3A_1008, %broadcast_in_dim3A_13 : vector<16xf32>
        %convert_element_type3A_1068 = arith.fptosi %add3A_1067 : vector<16xf32> to vector<16xi32>
        %sub3A_1069 = arith.constant 1 : i32
        %sub3A_1070 = vector.broadcast %sub3A_1069 : i32 to vector<16xi32>
        %sub3A_1071 = arith.subi %convert_element_type3A_1068, %sub3A_1070 : vector<16xi32>
        %max3A_1072 = arith.constant 0 : i32
        %max3A_1073 = vector.broadcast %max3A_1072 : i32 to vector<16xi32>
        %max3A_1074 = arith.maxsi %sub3A_1071, %max3A_1073 : vector<16xi32>
        %min3A_1075 = arith.constant 127 : i32
        %min3A_1076 = vector.broadcast %min3A_1075 : i32 to vector<16xi32>
        %min3A_1077 = arith.minsi %max3A_1074, %min3A_1076 : vector<16xi32>
        %max3A_1078 = arith.constant 0 : i32
        %max3A_1079 = vector.broadcast %max3A_1078 : i32 to vector<16xi32>
        %max3A_1080 = arith.maxsi %convert_element_type3A_1068, %max3A_1079 : vector<16xi32>
        %min3A_1081 = arith.constant 127 : i32
        %min3A_1082 = vector.broadcast %min3A_1081 : i32 to vector<16xi32>
        %min3A_1083 = arith.minsi %max3A_1080, %min3A_1082 : vector<16xi32>
        %gather3A_1084 = tpu.vector_load_idx %arg16[%min3A_1077] : memref<128xf32, #tpu.memory_space<vmem>>[vector<16xi32>], vector<16xf32>,
        %gather3A_1085 = tpu.vector_load_idx %arg16[%min3A_1083] : memref<128xf32, #tpu.memory_space<vmem>>[vector<16xi32>], vector<16xf32>,
        %add3A_1086 = arith.addi %broadcast_in_dim3A_730, %min3A_1077 : vector<16xi32>
        %gather3A_1087 = tpu.vector_load_idx %arg7[%add3A_1086] : memref<16384xf32, #tpu.memory_space<vmem>>[vector<16xi32>], vector<16xf32>,
        %add3A_1088 = arith.addi %broadcast_in_dim3A_730, %min3A_1083 : vector<16xi32>
        %gather3A_1089 = tpu.vector_load_idx %arg7[%add3A_1088] : memref<16384xf32, #tpu.memory_space<vmem>>[vector<16xi32>], vector<16xf32>,
        %get3A_1090 = arith.constant 32 : index
        %get3A_1091 = tpu.vector_load %arg9[%get3A_1090] {strides = array<i32>} : memref<160xf32, #tpu.memory_space<vmem>>, vector<16xf32>,
        %sub3A_1092 = arith.subf %gather3A_1085, %gather3A_1084 : vector<16xf32>
        %lt3A_1093 = arith.constant 9.99999974E-6 : f32
        %lt3A_1094 = vector.broadcast %lt3A_1093 : f32 to vector<16xf32>
        %lt3A_1095 = arith.cmpf olt, %sub3A_1092, %lt3A_1094 : vector<16xf32>
        %jit3A_1096 = arith.constant 1.000000e+00 : f32
        %broadcast_in_dim3A_1097 = vector.broadcast %jit3A_1096 : f32 to vector<16xf32>
        %select_n3A_1098 = arith.select %lt3A_1095, %broadcast_in_dim3A_1097, %sub3A_1092 : vector<16xi1>, vector<16xf32>
        %sub3A_1099 = arith.subf %get3A_1091, %gather3A_1084 : vector<16xf32>
        %div3A_1100 = arith.divf %sub3A_1099, %select_n3A_1098 : vector<16xf32>
        %sub3A_1101 = arith.subf %gather3A_1089, %gather3A_1087 : vector<16xf32>
        %mul3A_1102 = arith.mulf %div3A_1100, %sub3A_1101 : vector<16xf32>
        %add3A_1103 = arith.addf %gather3A_1087, %mul3A_1102 : vector<16xf32>
        %add3A_1104 = arith.constant 0 : i32
        %add3A_1105 = arith.addi %add3A_729, %add3A_1104 : i32
        %swap3A_1106 = arith.index_cast %add3A_1105 : i32 to index
        %swap3A_1107 = tpu.vector_load %arg8[%swap3A_1106] {strides = array<i32>} : memref<16384xf32, #tpu.memory_space<vmem>>, vector<16xf32>,
        tpu.vector_store %arg8[%swap3A_1106], %add3A_1103 {strides = array<i32>} : memref<16384xf32, #tpu.memory_space<vmem>>, vector<16xf32>,
        %gather3A_1108 = tpu.vector_load_idx %arg20[%broadcast_in_dim3A_15] : memref<16xf32, #tpu.memory_space<vmem>>[vector<16xi32>], vector<16xf32>,
        %add3A_1109 = arith.addf %masked_cumsum3A_1015, %gather3A_1108 : vector<16xf32>
        %convert_element_type3A_1110 = arith.fptosi %add3A_1109 : vector<16xf32> to vector<16xi32>
        %sub3A_1111 = arith.constant 1 : i32
        %sub3A_1112 = vector.broadcast %sub3A_1111 : i32 to vector<16xi32>
        %sub3A_1113 = arith.subi %convert_element_type3A_1110, %sub3A_1112 : vector<16xi32>
        %max3A_1114 = arith.constant 0 : i32
        %max3A_1115 = vector.broadcast %max3A_1114 : i32 to vector<16xi32>
        %max3A_1116 = arith.maxsi %sub3A_1113, %max3A_1115 : vector<16xi32>
        %min3A_1117 = arith.constant 127 : i32
        %min3A_1118 = vector.broadcast %min3A_1117 : i32 to vector<16xi32>
        %min3A_1119 = arith.minsi %max3A_1116, %min3A_1118 : vector<16xi32>
        %max3A_1120 = arith.constant 0 : i32
        %max3A_1121 = vector.broadcast %max3A_1120 : i32 to vector<16xi32>
        %max3A_1122 = arith.maxsi %convert_element_type3A_1110, %max3A_1121 : vector<16xi32>
        %min3A_1123 = arith.constant 127 : i32
        %min3A_1124 = vector.broadcast %min3A_1123 : i32 to vector<16xi32>
        %min3A_1125 = arith.minsi %max3A_1122, %min3A_1124 : vector<16xi32>
        %gather3A_1126 = tpu.vector_load_idx %arg16[%min3A_1119] : memref<128xf32, #tpu.memory_space<vmem>>[vector<16xi32>], vector<16xf32>,
        %gather3A_1127 = tpu.vector_load_idx %arg16[%min3A_1125] : memref<128xf32, #tpu.memory_space<vmem>>[vector<16xi32>], vector<16xf32>,
        %add3A_1128 = arith.addi %broadcast_in_dim3A_730, %min3A_1119 : vector<16xi32>
        %gather3A_1129 = tpu.vector_load_idx %arg7[%add3A_1128] : memref<16384xf32, #tpu.memory_space<vmem>>[vector<16xi32>], vector<16xf32>,
        %add3A_1130 = arith.addi %broadcast_in_dim3A_730, %min3A_1125 : vector<16xi32>
        %gather3A_1131 = tpu.vector_load_idx %arg7[%add3A_1130] : memref<16384xf32, #tpu.memory_space<vmem>>[vector<16xi32>], vector<16xf32>,
        %get3A_1132 = arith.constant 48 : index
        %get3A_1133 = tpu.vector_load %arg9[%get3A_1132] {strides = array<i32>} : memref<160xf32, #tpu.memory_space<vmem>>, vector<16xf32>,
        %sub3A_1134 = arith.subf %gather3A_1127, %gather3A_1126 : vector<16xf32>
        %lt3A_1135 = arith.constant 9.99999974E-6 : f32
        %lt3A_1136 = vector.broadcast %lt3A_1135 : f32 to vector<16xf32>
        %lt3A_1137 = arith.cmpf olt, %sub3A_1134, %lt3A_1136 : vector<16xf32>
        %jit3A_1138 = arith.constant 1.000000e+00 : f32
        %broadcast_in_dim3A_1139 = vector.broadcast %jit3A_1138 : f32 to vector<16xf32>
        %select_n3A_1140 = arith.select %lt3A_1137, %broadcast_in_dim3A_1139, %sub3A_1134 : vector<16xi1>, vector<16xf32>
        %sub3A_1141 = arith.subf %get3A_1133, %gather3A_1126 : vector<16xf32>
        %div3A_1142 = arith.divf %sub3A_1141, %select_n3A_1140 : vector<16xf32>
        %sub3A_1143 = arith.subf %gather3A_1131, %gather3A_1129 : vector<16xf32>
        %mul3A_1144 = arith.mulf %div3A_1142, %sub3A_1143 : vector<16xf32>
        %add3A_1145 = arith.addf %gather3A_1129, %mul3A_1144 : vector<16xf32>
        %add3A_1146 = arith.constant 16 : i32
        %add3A_1147 = arith.addi %add3A_729, %add3A_1146 : i32
        %swap3A_1148 = arith.index_cast %add3A_1147 : i32 to index
        %swap3A_1149 = tpu.vector_load %arg8[%swap3A_1148] {strides = array<i32>} : memref<16384xf32, #tpu.memory_space<vmem>>, vector<16xf32>,
        tpu.vector_store %arg8[%swap3A_1148], %add3A_1145 {strides = array<i32>} : memref<16384xf32, #tpu.memory_space<vmem>>, vector<16xf32>,
        %gather3A_1150 = tpu.vector_load_idx %arg20[%broadcast_in_dim3A_17] : memref<16xf32, #tpu.memory_space<vmem>>[vector<16xi32>], vector<16xf32>,
        %add3A_1151 = arith.addf %masked_cumsum3A_1022, %gather3A_1150 : vector<16xf32>
        %convert_element_type3A_1152 = arith.fptosi %add3A_1151 : vector<16xf32> to vector<16xi32>
        %sub3A_1153 = arith.constant 1 : i32
        %sub3A_1154 = vector.broadcast %sub3A_1153 : i32 to vector<16xi32>
        %sub3A_1155 = arith.subi %convert_element_type3A_1152, %sub3A_1154 : vector<16xi32>
        %max3A_1156 = arith.constant 0 : i32
        %max3A_1157 = vector.broadcast %max3A_1156 : i32 to vector<16xi32>
        %max3A_1158 = arith.maxsi %sub3A_1155, %max3A_1157 : vector<16xi32>
        %min3A_1159 = arith.constant 127 : i32
        %min3A_1160 = vector.broadcast %min3A_1159 : i32 to vector<16xi32>
        %min3A_1161 = arith.minsi %max3A_1158, %min3A_1160 : vector<16xi32>
        %max3A_1162 = arith.constant 0 : i32
        %max3A_1163 = vector.broadcast %max3A_1162 : i32 to vector<16xi32>
        %max3A_1164 = arith.maxsi %convert_element_type3A_1152, %max3A_1163 : vector<16xi32>
        %min3A_1165 = arith.constant 127 : i32
        %min3A_1166 = vector.broadcast %min3A_1165 : i32 to vector<16xi32>
        %min3A_1167 = arith.minsi %max3A_1164, %min3A_1166 : vector<16xi32>
        %gather3A_1168 = tpu.vector_load_idx %arg16[%min3A_1161] : memref<128xf32, #tpu.memory_space<vmem>>[vector<16xi32>], vector<16xf32>,
        %gather3A_1169 = tpu.vector_load_idx %arg16[%min3A_1167] : memref<128xf32, #tpu.memory_space<vmem>>[vector<16xi32>], vector<16xf32>,
        %add3A_1170 = arith.addi %broadcast_in_dim3A_730, %min3A_1161 : vector<16xi32>
        %gather3A_1171 = tpu.vector_load_idx %arg7[%add3A_1170] : memref<16384xf32, #tpu.memory_space<vmem>>[vector<16xi32>], vector<16xf32>,
        %add3A_1172 = arith.addi %broadcast_in_dim3A_730, %min3A_1167 : vector<16xi32>
        %gather3A_1173 = tpu.vector_load_idx %arg7[%add3A_1172] : memref<16384xf32, #tpu.memory_space<vmem>>[vector<16xi32>], vector<16xf32>,
        %get3A_1174 = arith.constant 64 : index
        %get3A_1175 = tpu.vector_load %arg9[%get3A_1174] {strides = array<i32>} : memref<160xf32, #tpu.memory_space<vmem>>, vector<16xf32>,
        %sub3A_1176 = arith.subf %gather3A_1169, %gather3A_1168 : vector<16xf32>
        %lt3A_1177 = arith.constant 9.99999974E-6 : f32
        %lt3A_1178 = vector.broadcast %lt3A_1177 : f32 to vector<16xf32>
        %lt3A_1179 = arith.cmpf olt, %sub3A_1176, %lt3A_1178 : vector<16xf32>
        %jit3A_1180 = arith.constant 1.000000e+00 : f32
        %broadcast_in_dim3A_1181 = vector.broadcast %jit3A_1180 : f32 to vector<16xf32>
        %select_n3A_1182 = arith.select %lt3A_1179, %broadcast_in_dim3A_1181, %sub3A_1176 : vector<16xi1>, vector<16xf32>
        %sub3A_1183 = arith.subf %get3A_1175, %gather3A_1168 : vector<16xf32>
        %div3A_1184 = arith.divf %sub3A_1183, %select_n3A_1182 : vector<16xf32>
        %sub3A_1185 = arith.subf %gather3A_1173, %gather3A_1171 : vector<16xf32>
        %mul3A_1186 = arith.mulf %div3A_1184, %sub3A_1185 : vector<16xf32>
        %add3A_1187 = arith.addf %gather3A_1171, %mul3A_1186 : vector<16xf32>
        %add3A_1188 = arith.constant 32 : i32
        %add3A_1189 = arith.addi %add3A_729, %add3A_1188 : i32
        %swap3A_1190 = arith.index_cast %add3A_1189 : i32 to index
        %swap3A_1191 = tpu.vector_load %arg8[%swap3A_1190] {strides = array<i32>} : memref<16384xf32, #tpu.memory_space<vmem>>, vector<16xf32>,
        tpu.vector_store %arg8[%swap3A_1190], %add3A_1187 {strides = array<i32>} : memref<16384xf32, #tpu.memory_space<vmem>>, vector<16xf32>,
        %gather3A_1192 = tpu.vector_load_idx %arg20[%broadcast_in_dim3A_19] : memref<16xf32, #tpu.memory_space<vmem>>[vector<16xi32>], vector<16xf32>,
        %add3A_1193 = arith.addf %masked_cumsum3A_1029, %gather3A_1192 : vector<16xf32>
        %convert_element_type3A_1194 = arith.fptosi %add3A_1193 : vector<16xf32> to vector<16xi32>
        %sub3A_1195 = arith.constant 1 : i32
        %sub3A_1196 = vector.broadcast %sub3A_1195 : i32 to vector<16xi32>
        %sub3A_1197 = arith.subi %convert_element_type3A_1194, %sub3A_1196 : vector<16xi32>
        %max3A_1198 = arith.constant 0 : i32
        %max3A_1199 = vector.broadcast %max3A_1198 : i32 to vector<16xi32>
        %max3A_1200 = arith.maxsi %sub3A_1197, %max3A_1199 : vector<16xi32>
        %min3A_1201 = arith.constant 127 : i32
        %min3A_1202 = vector.broadcast %min3A_1201 : i32 to vector<16xi32>
        %min3A_1203 = arith.minsi %max3A_1200, %min3A_1202 : vector<16xi32>
        %max3A_1204 = arith.constant 0 : i32
        %max3A_1205 = vector.broadcast %max3A_1204 : i32 to vector<16xi32>
        %max3A_1206 = arith.maxsi %convert_element_type3A_1194, %max3A_1205 : vector<16xi32>
        %min3A_1207 = arith.constant 127 : i32
        %min3A_1208 = vector.broadcast %min3A_1207 : i32 to vector<16xi32>
        %min3A_1209 = arith.minsi %max3A_1206, %min3A_1208 : vector<16xi32>
        %gather3A_1210 = tpu.vector_load_idx %arg16[%min3A_1203] : memref<128xf32, #tpu.memory_space<vmem>>[vector<16xi32>], vector<16xf32>,
        %gather3A_1211 = tpu.vector_load_idx %arg16[%min3A_1209] : memref<128xf32, #tpu.memory_space<vmem>>[vector<16xi32>], vector<16xf32>,
        %add3A_1212 = arith.addi %broadcast_in_dim3A_730, %min3A_1203 : vector<16xi32>
        %gather3A_1213 = tpu.vector_load_idx %arg7[%add3A_1212] : memref<16384xf32, #tpu.memory_space<vmem>>[vector<16xi32>], vector<16xf32>,
        %add3A_1214 = arith.addi %broadcast_in_dim3A_730, %min3A_1209 : vector<16xi32>
        %gather3A_1215 = tpu.vector_load_idx %arg7[%add3A_1214] : memref<16384xf32, #tpu.memory_space<vmem>>[vector<16xi32>], vector<16xf32>,
        %get3A_1216 = arith.constant 80 : index
        %get3A_1217 = tpu.vector_load %arg9[%get3A_1216] {strides = array<i32>} : memref<160xf32, #tpu.memory_space<vmem>>, vector<16xf32>,
        %sub3A_1218 = arith.subf %gather3A_1211, %gather3A_1210 : vector<16xf32>
        %lt3A_1219 = arith.constant 9.99999974E-6 : f32
        %lt3A_1220 = vector.broadcast %lt3A_1219 : f32 to vector<16xf32>
        %lt3A_1221 = arith.cmpf olt, %sub3A_1218, %lt3A_1220 : vector<16xf32>
        %jit3A_1222 = arith.constant 1.000000e+00 : f32
        %broadcast_in_dim3A_1223 = vector.broadcast %jit3A_1222 : f32 to vector<16xf32>
        %select_n3A_1224 = arith.select %lt3A_1221, %broadcast_in_dim3A_1223, %sub3A_1218 : vector<16xi1>, vector<16xf32>
        %sub3A_1225 = arith.subf %get3A_1217, %gather3A_1210 : vector<16xf32>
        %div3A_1226 = arith.divf %sub3A_1225, %select_n3A_1224 : vector<16xf32>
        %sub3A_1227 = arith.subf %gather3A_1215, %gather3A_1213 : vector<16xf32>
        %mul3A_1228 = arith.mulf %div3A_1226, %sub3A_1227 : vector<16xf32>
        %add3A_1229 = arith.addf %gather3A_1213, %mul3A_1228 : vector<16xf32>
        %add3A_1230 = arith.constant 48 : i32
        %add3A_1231 = arith.addi %add3A_729, %add3A_1230 : i32
        %swap3A_1232 = arith.index_cast %add3A_1231 : i32 to index
        %swap3A_1233 = tpu.vector_load %arg8[%swap3A_1232] {strides = array<i32>} : memref<16384xf32, #tpu.memory_space<vmem>>, vector<16xf32>,
        tpu.vector_store %arg8[%swap3A_1232], %add3A_1229 {strides = array<i32>} : memref<16384xf32, #tpu.memory_space<vmem>>, vector<16xf32>,
        %gather3A_1234 = tpu.vector_load_idx %arg20[%broadcast_in_dim3A_21] : memref<16xf32, #tpu.memory_space<vmem>>[vector<16xi32>], vector<16xf32>,
        %add3A_1235 = arith.addf %masked_cumsum3A_1036, %gather3A_1234 : vector<16xf32>
        %convert_element_type3A_1236 = arith.fptosi %add3A_1235 : vector<16xf32> to vector<16xi32>
        %sub3A_1237 = arith.constant 1 : i32
        %sub3A_1238 = vector.broadcast %sub3A_1237 : i32 to vector<16xi32>
        %sub3A_1239 = arith.subi %convert_element_type3A_1236, %sub3A_1238 : vector<16xi32>
        %max3A_1240 = arith.constant 0 : i32
        %max3A_1241 = vector.broadcast %max3A_1240 : i32 to vector<16xi32>
        %max3A_1242 = arith.maxsi %sub3A_1239, %max3A_1241 : vector<16xi32>
        %min3A_1243 = arith.constant 127 : i32
        %min3A_1244 = vector.broadcast %min3A_1243 : i32 to vector<16xi32>
        %min3A_1245 = arith.minsi %max3A_1242, %min3A_1244 : vector<16xi32>
        %max3A_1246 = arith.constant 0 : i32
        %max3A_1247 = vector.broadcast %max3A_1246 : i32 to vector<16xi32>
        %max3A_1248 = arith.maxsi %convert_element_type3A_1236, %max3A_1247 : vector<16xi32>
        %min3A_1249 = arith.constant 127 : i32
        %min3A_1250 = vector.broadcast %min3A_1249 : i32 to vector<16xi32>
        %min3A_1251 = arith.minsi %max3A_1248, %min3A_1250 : vector<16xi32>
        %gather3A_1252 = tpu.vector_load_idx %arg16[%min3A_1245] : memref<128xf32, #tpu.memory_space<vmem>>[vector<16xi32>], vector<16xf32>,
        %gather3A_1253 = tpu.vector_load_idx %arg16[%min3A_1251] : memref<128xf32, #tpu.memory_space<vmem>>[vector<16xi32>], vector<16xf32>,
        %add3A_1254 = arith.addi %broadcast_in_dim3A_730, %min3A_1245 : vector<16xi32>
        %gather3A_1255 = tpu.vector_load_idx %arg7[%add3A_1254] : memref<16384xf32, #tpu.memory_space<vmem>>[vector<16xi32>], vector<16xf32>,
        %add3A_1256 = arith.addi %broadcast_in_dim3A_730, %min3A_1251 : vector<16xi32>
        %gather3A_1257 = tpu.vector_load_idx %arg7[%add3A_1256] : memref<16384xf32, #tpu.memory_space<vmem>>[vector<16xi32>], vector<16xf32>,
        %get3A_1258 = arith.constant 96 : index
        %get3A_1259 = tpu.vector_load %arg9[%get3A_1258] {strides = array<i32>} : memref<160xf32, #tpu.memory_space<vmem>>, vector<16xf32>,
        %sub3A_1260 = arith.subf %gather3A_1253, %gather3A_1252 : vector<16xf32>
        %lt3A_1261 = arith.constant 9.99999974E-6 : f32
        %lt3A_1262 = vector.broadcast %lt3A_1261 : f32 to vector<16xf32>
        %lt3A_1263 = arith.cmpf olt, %sub3A_1260, %lt3A_1262 : vector<16xf32>
        %jit3A_1264 = arith.constant 1.000000e+00 : f32
        %broadcast_in_dim3A_1265 = vector.broadcast %jit3A_1264 : f32 to vector<16xf32>
        %select_n3A_1266 = arith.select %lt3A_1263, %broadcast_in_dim3A_1265, %sub3A_1260 : vector<16xi1>, vector<16xf32>
        %sub3A_1267 = arith.subf %get3A_1259, %gather3A_1252 : vector<16xf32>
        %div3A_1268 = arith.divf %sub3A_1267, %select_n3A_1266 : vector<16xf32>
        %sub3A_1269 = arith.subf %gather3A_1257, %gather3A_1255 : vector<16xf32>
        %mul3A_1270 = arith.mulf %div3A_1268, %sub3A_1269 : vector<16xf32>
        %add3A_1271 = arith.addf %gather3A_1255, %mul3A_1270 : vector<16xf32>
        %add3A_1272 = arith.constant 64 : i32
        %add3A_1273 = arith.addi %add3A_729, %add3A_1272 : i32
        %swap3A_1274 = arith.index_cast %add3A_1273 : i32 to index
        %swap3A_1275 = tpu.vector_load %arg8[%swap3A_1274] {strides = array<i32>} : memref<16384xf32, #tpu.memory_space<vmem>>, vector<16xf32>,
        tpu.vector_store %arg8[%swap3A_1274], %add3A_1271 {strides = array<i32>} : memref<16384xf32, #tpu.memory_space<vmem>>, vector<16xf32>,
        %gather3A_1276 = tpu.vector_load_idx %arg20[%broadcast_in_dim3A_23] : memref<16xf32, #tpu.memory_space<vmem>>[vector<16xi32>], vector<16xf32>,
        %add3A_1277 = arith.addf %masked_cumsum3A_1043, %gather3A_1276 : vector<16xf32>
        %convert_element_type3A_1278 = arith.fptosi %add3A_1277 : vector<16xf32> to vector<16xi32>
        %sub3A_1279 = arith.constant 1 : i32
        %sub3A_1280 = vector.broadcast %sub3A_1279 : i32 to vector<16xi32>
        %sub3A_1281 = arith.subi %convert_element_type3A_1278, %sub3A_1280 : vector<16xi32>
        %max3A_1282 = arith.constant 0 : i32
        %max3A_1283 = vector.broadcast %max3A_1282 : i32 to vector<16xi32>
        %max3A_1284 = arith.maxsi %sub3A_1281, %max3A_1283 : vector<16xi32>
        %min3A_1285 = arith.constant 127 : i32
        %min3A_1286 = vector.broadcast %min3A_1285 : i32 to vector<16xi32>
        %min3A_1287 = arith.minsi %max3A_1284, %min3A_1286 : vector<16xi32>
        %max3A_1288 = arith.constant 0 : i32
        %max3A_1289 = vector.broadcast %max3A_1288 : i32 to vector<16xi32>
        %max3A_1290 = arith.maxsi %convert_element_type3A_1278, %max3A_1289 : vector<16xi32>
        %min3A_1291 = arith.constant 127 : i32
        %min3A_1292 = vector.broadcast %min3A_1291 : i32 to vector<16xi32>
        %min3A_1293 = arith.minsi %max3A_1290, %min3A_1292 : vector<16xi32>
        %gather3A_1294 = tpu.vector_load_idx %arg16[%min3A_1287] : memref<128xf32, #tpu.memory_space<vmem>>[vector<16xi32>], vector<16xf32>,
        %gather3A_1295 = tpu.vector_load_idx %arg16[%min3A_1293] : memref<128xf32, #tpu.memory_space<vmem>>[vector<16xi32>], vector<16xf32>,
        %add3A_1296 = arith.addi %broadcast_in_dim3A_730, %min3A_1287 : vector<16xi32>
        %gather3A_1297 = tpu.vector_load_idx %arg7[%add3A_1296] : memref<16384xf32, #tpu.memory_space<vmem>>[vector<16xi32>], vector<16xf32>,
        %add3A_1298 = arith.addi %broadcast_in_dim3A_730, %min3A_1293 : vector<16xi32>
        %gather3A_1299 = tpu.vector_load_idx %arg7[%add3A_1298] : memref<16384xf32, #tpu.memory_space<vmem>>[vector<16xi32>], vector<16xf32>,
        %get3A_1300 = arith.constant 112 : index
        %get3A_1301 = tpu.vector_load %arg9[%get3A_1300] {strides = array<i32>} : memref<160xf32, #tpu.memory_space<vmem>>, vector<16xf32>,
        %sub3A_1302 = arith.subf %gather3A_1295, %gather3A_1294 : vector<16xf32>
        %lt3A_1303 = arith.constant 9.99999974E-6 : f32
        %lt3A_1304 = vector.broadcast %lt3A_1303 : f32 to vector<16xf32>
        %lt3A_1305 = arith.cmpf olt, %sub3A_1302, %lt3A_1304 : vector<16xf32>
        %jit3A_1306 = arith.constant 1.000000e+00 : f32
        %broadcast_in_dim3A_1307 = vector.broadcast %jit3A_1306 : f32 to vector<16xf32>
        %select_n3A_1308 = arith.select %lt3A_1305, %broadcast_in_dim3A_1307, %sub3A_1302 : vector<16xi1>, vector<16xf32>
        %sub3A_1309 = arith.subf %get3A_1301, %gather3A_1294 : vector<16xf32>
        %div3A_1310 = arith.divf %sub3A_1309, %select_n3A_1308 : vector<16xf32>
        %sub3A_1311 = arith.subf %gather3A_1299, %gather3A_1297 : vector<16xf32>
        %mul3A_1312 = arith.mulf %div3A_1310, %sub3A_1311 : vector<16xf32>
        %add3A_1313 = arith.addf %gather3A_1297, %mul3A_1312 : vector<16xf32>
        %add3A_1314 = arith.constant 80 : i32
        %add3A_1315 = arith.addi %add3A_729, %add3A_1314 : i32
        %swap3A_1316 = arith.index_cast %add3A_1315 : i32 to index
        %swap3A_1317 = tpu.vector_load %arg8[%swap3A_1316] {strides = array<i32>} : memref<16384xf32, #tpu.memory_space<vmem>>, vector<16xf32>,
        tpu.vector_store %arg8[%swap3A_1316], %add3A_1313 {strides = array<i32>} : memref<16384xf32, #tpu.memory_space<vmem>>, vector<16xf32>,
        %gather3A_1318 = tpu.vector_load_idx %arg20[%broadcast_in_dim3A_25] : memref<16xf32, #tpu.memory_space<vmem>>[vector<16xi32>], vector<16xf32>,
        %add3A_1319 = arith.addf %masked_cumsum3A_1050, %gather3A_1318 : vector<16xf32>
        %convert_element_type3A_1320 = arith.fptosi %add3A_1319 : vector<16xf32> to vector<16xi32>
        %sub3A_1321 = arith.constant 1 : i32
        %sub3A_1322 = vector.broadcast %sub3A_1321 : i32 to vector<16xi32>
        %sub3A_1323 = arith.subi %convert_element_type3A_1320, %sub3A_1322 : vector<16xi32>
        %max3A_1324 = arith.constant 0 : i32
        %max3A_1325 = vector.broadcast %max3A_1324 : i32 to vector<16xi32>
        %max3A_1326 = arith.maxsi %sub3A_1323, %max3A_1325 : vector<16xi32>
        %min3A_1327 = arith.constant 127 : i32
        %min3A_1328 = vector.broadcast %min3A_1327 : i32 to vector<16xi32>
        %min3A_1329 = arith.minsi %max3A_1326, %min3A_1328 : vector<16xi32>
        %max3A_1330 = arith.constant 0 : i32
        %max3A_1331 = vector.broadcast %max3A_1330 : i32 to vector<16xi32>
        %max3A_1332 = arith.maxsi %convert_element_type3A_1320, %max3A_1331 : vector<16xi32>
        %min3A_1333 = arith.constant 127 : i32
        %min3A_1334 = vector.broadcast %min3A_1333 : i32 to vector<16xi32>
        %min3A_1335 = arith.minsi %max3A_1332, %min3A_1334 : vector<16xi32>
        %gather3A_1336 = tpu.vector_load_idx %arg16[%min3A_1329] : memref<128xf32, #tpu.memory_space<vmem>>[vector<16xi32>], vector<16xf32>,
        %gather3A_1337 = tpu.vector_load_idx %arg16[%min3A_1335] : memref<128xf32, #tpu.memory_space<vmem>>[vector<16xi32>], vector<16xf32>,
        %add3A_1338 = arith.addi %broadcast_in_dim3A_730, %min3A_1329 : vector<16xi32>
        %gather3A_1339 = tpu.vector_load_idx %arg7[%add3A_1338] : memref<16384xf32, #tpu.memory_space<vmem>>[vector<16xi32>], vector<16xf32>,
        %add3A_1340 = arith.addi %broadcast_in_dim3A_730, %min3A_1335 : vector<16xi32>
        %gather3A_1341 = tpu.vector_load_idx %arg7[%add3A_1340] : memref<16384xf32, #tpu.memory_space<vmem>>[vector<16xi32>], vector<16xf32>,
        %get3A_1342 = arith.constant 128 : index
        %get3A_1343 = tpu.vector_load %arg9[%get3A_1342] {strides = array<i32>} : memref<160xf32, #tpu.memory_space<vmem>>, vector<16xf32>,
        %sub3A_1344 = arith.subf %gather3A_1337, %gather3A_1336 : vector<16xf32>
        %lt3A_1345 = arith.constant 9.99999974E-6 : f32
        %lt3A_1346 = vector.broadcast %lt3A_1345 : f32 to vector<16xf32>
        %lt3A_1347 = arith.cmpf olt, %sub3A_1344, %lt3A_1346 : vector<16xf32>
        %jit3A_1348 = arith.constant 1.000000e+00 : f32
        %broadcast_in_dim3A_1349 = vector.broadcast %jit3A_1348 : f32 to vector<16xf32>
        %select_n3A_1350 = arith.select %lt3A_1347, %broadcast_in_dim3A_1349, %sub3A_1344 : vector<16xi1>, vector<16xf32>
        %sub3A_1351 = arith.subf %get3A_1343, %gather3A_1336 : vector<16xf32>
        %div3A_1352 = arith.divf %sub3A_1351, %select_n3A_1350 : vector<16xf32>
        %sub3A_1353 = arith.subf %gather3A_1341, %gather3A_1339 : vector<16xf32>
        %mul3A_1354 = arith.mulf %div3A_1352, %sub3A_1353 : vector<16xf32>
        %add3A_1355 = arith.addf %gather3A_1339, %mul3A_1354 : vector<16xf32>
        %add3A_1356 = arith.constant 96 : i32
        %add3A_1357 = arith.addi %add3A_729, %add3A_1356 : i32
        %swap3A_1358 = arith.index_cast %add3A_1357 : i32 to index
        %swap3A_1359 = tpu.vector_load %arg8[%swap3A_1358] {strides = array<i32>} : memref<16384xf32, #tpu.memory_space<vmem>>, vector<16xf32>,
        tpu.vector_store %arg8[%swap3A_1358], %add3A_1355 {strides = array<i32>} : memref<16384xf32, #tpu.memory_space<vmem>>, vector<16xf32>,
        %gather3A_1360 = tpu.vector_load_idx %arg20[%broadcast_in_dim3A_27] : memref<16xf32, #tpu.memory_space<vmem>>[vector<16xi32>], vector<16xf32>,
        %add3A_1361 = arith.addf %masked_cumsum3A_1057, %gather3A_1360 : vector<16xf32>
        %convert_element_type3A_1362 = arith.fptosi %add3A_1361 : vector<16xf32> to vector<16xi32>
        %sub3A_1363 = arith.constant 1 : i32
        %sub3A_1364 = vector.broadcast %sub3A_1363 : i32 to vector<16xi32>
        %sub3A_1365 = arith.subi %convert_element_type3A_1362, %sub3A_1364 : vector<16xi32>
        %max3A_1366 = arith.constant 0 : i32
        %max3A_1367 = vector.broadcast %max3A_1366 : i32 to vector<16xi32>
        %max3A_1368 = arith.maxsi %sub3A_1365, %max3A_1367 : vector<16xi32>
        %min3A_1369 = arith.constant 127 : i32
        %min3A_1370 = vector.broadcast %min3A_1369 : i32 to vector<16xi32>
        %min3A_1371 = arith.minsi %max3A_1368, %min3A_1370 : vector<16xi32>
        %max3A_1372 = arith.constant 0 : i32
        %max3A_1373 = vector.broadcast %max3A_1372 : i32 to vector<16xi32>
        %max3A_1374 = arith.maxsi %convert_element_type3A_1362, %max3A_1373 : vector<16xi32>
        %min3A_1375 = arith.constant 127 : i32
        %min3A_1376 = vector.broadcast %min3A_1375 : i32 to vector<16xi32>
        %min3A_1377 = arith.minsi %max3A_1374, %min3A_1376 : vector<16xi32>
        %gather3A_1378 = tpu.vector_load_idx %arg16[%min3A_1371] : memref<128xf32, #tpu.memory_space<vmem>>[vector<16xi32>], vector<16xf32>,
        %gather3A_1379 = tpu.vector_load_idx %arg16[%min3A_1377] : memref<128xf32, #tpu.memory_space<vmem>>[vector<16xi32>], vector<16xf32>,
        %add3A_1380 = arith.addi %broadcast_in_dim3A_730, %min3A_1371 : vector<16xi32>
        %gather3A_1381 = tpu.vector_load_idx %arg7[%add3A_1380] : memref<16384xf32, #tpu.memory_space<vmem>>[vector<16xi32>], vector<16xf32>,
        %add3A_1382 = arith.addi %broadcast_in_dim3A_730, %min3A_1377 : vector<16xi32>
        %gather3A_1383 = tpu.vector_load_idx %arg7[%add3A_1382] : memref<16384xf32, #tpu.memory_space<vmem>>[vector<16xi32>], vector<16xf32>,
        %get3A_1384 = arith.constant 144 : index
        %get3A_1385 = tpu.vector_load %arg9[%get3A_1384] {strides = array<i32>} : memref<160xf32, #tpu.memory_space<vmem>>, vector<16xf32>,
        %sub3A_1386 = arith.subf %gather3A_1379, %gather3A_1378 : vector<16xf32>
        %lt3A_1387 = arith.constant 9.99999974E-6 : f32
        %lt3A_1388 = vector.broadcast %lt3A_1387 : f32 to vector<16xf32>
        %lt3A_1389 = arith.cmpf olt, %sub3A_1386, %lt3A_1388 : vector<16xf32>
        %jit3A_1390 = arith.constant 1.000000e+00 : f32
        %broadcast_in_dim3A_1391 = vector.broadcast %jit3A_1390 : f32 to vector<16xf32>
        %select_n3A_1392 = arith.select %lt3A_1389, %broadcast_in_dim3A_1391, %sub3A_1386 : vector<16xi1>, vector<16xf32>
        %sub3A_1393 = arith.subf %get3A_1385, %gather3A_1378 : vector<16xf32>
        %div3A_1394 = arith.divf %sub3A_1393, %select_n3A_1392 : vector<16xf32>
        %sub3A_1395 = arith.subf %gather3A_1383, %gather3A_1381 : vector<16xf32>
        %mul3A_1396 = arith.mulf %div3A_1394, %sub3A_1395 : vector<16xf32>
        %add3A_1397 = arith.addf %gather3A_1381, %mul3A_1396 : vector<16xf32>
        %add3A_1398 = arith.constant 112 : i32
        %add3A_1399 = arith.addi %add3A_729, %add3A_1398 : i32
        %swap3A_1400 = arith.index_cast %add3A_1399 : i32 to index
        %swap3A_1401 = tpu.vector_load %arg8[%swap3A_1400] {strides = array<i32>} : memref<16384xf32, #tpu.memory_space<vmem>>, vector<16xf32>,
        tpu.vector_store %arg8[%swap3A_1400], %add3A_1397 {strides = array<i32>} : memref<16384xf32, #tpu.memory_space<vmem>>, vector<16xf32>,
      }
      %scan3A_57 = arith.constant 64 : i32
      %dma_start3A_58 = tpu.memref_slice %arg5[%mul3A_45] : memref<8388608xf32, #tpu.memory_space<hbm>> -> memref<16384xf32, #tpu.memory_space<hbm>>
      %dma_start3A_59 = tpu.memref_slice %arg5[%mul3A_45] : memref<8388608xf32, #tpu.memory_space<hbm>> -> memref<16384xf32, #tpu.memory_space<hbm>>
      tpu.enqueue_dma source(%arg8 : memref<16384xf32, #tpu.memory_space<vmem>>) target(%dma_start3A_59 : memref<16384xf32, #tpu.memory_space<hbm>>) target_semaphore(%arg24 : memref<!tpu.dma_semaphore, #tpu.memory_space<semaphore_mem>>)
      %dma_wait3A_60 = tpu.memref_slice %arg5[%mul3A_45] : memref<8388608xf32, #tpu.memory_space<hbm>> -> memref<16384xf32, #tpu.memory_space<hbm>>
      %dma_wait3A_61 = tpu.memref_slice %arg5[%mul3A_45] : memref<8388608xf32, #tpu.memory_space<hbm>> -> memref<16384xf32, #tpu.memory_space<hbm>>
      tpu.wait_dma2 semaphore(%arg24 : memref<!tpu.dma_semaphore, #tpu.memory_space<semaphore_mem>>) src(%arg8 : memref<16384xf32, #tpu.memory_space<vmem>>) dst(%dma_wait3A_61 : memref<16384xf32, #tpu.memory_space<hbm>>)
    }
    %scan3A_37 = arith.constant 16 : i32
    return
  }
}

</mosaic_0001>

<sc_bundles>
// kernel: kernel.3.cloned.1.call-start
scs
__scs_entry_jumppad:
0x0: {  	(pc) =	sbr.rel $0x88, $3  }
0x1: {  	(tag) =	ssettag $0x0;
	lr =	simm.s32 $0x1  }
0x2: {  	[smem:$0x3F9E] =	sst lr;
	_ =	strace $0xD0000000  }
0x3: {  	_ = 	snop  }
0x4: {  	_ = 	snop  }
0x5: {  	_ = 	snop  }
0x6: {  	_ = 	snop  }
0x7: {  	_ = 	snop  }
__scs_overlays_trampoline_lowered:
0x8: {  	[smem:$0x3FAD] =	sst s0  }
0x9: {  	[smem:$0x3FAE] =	sst s1  }
0xa: {  	[smem:$0x3FAF] =	sst s2  }
0xb: {  	[smem:$0x3FB0] =	sst s3  }
0xc: {  	[smem:$0x3FB1] =	sst s4  }
0xd: {  	[smem:$0x3FB2] =	sst s5  }
0xe: {  	[smem:$0x3FB3] =	sst s6  }
0xf: {  	[smem:$0x3FB4] =	sst s7  }
0x10: {  	[smem:$0x3FB5] =	sst s8  }
0x11: {  	[smem:$0x3FB6] =	sst s9;
	s0 =	simm.s32 @!p0 $0x0  }
0x12: {  	s1 =	sld [smem:$0x3F9C];
	s0 =	simm.s32 @p0 $0x1  }
0x13: {  	[smem:$0x3FB7] =	sst s0;
	s0 =	simm.s32 @!p1 $0x0  }
0x14: {  	s2 =	sld [smem:$0x3F9B];
	s0 =	simm.s32 @p1 $0x1  }
0x15: {  	[smem:$0x3FB8] =	sst s0;
	s0 =	simm.s32 @!p2 $0x0  }
0x16: {  	s3 =	sld [smem:$0x3FDB];
	s0 =	simm.s32 @p2 $0x1  }
0x17: {  	s4 =	simm.s32 $0x1BF5;
	[smem:$0x3FBA] =	sst s0  }
0x18: {  	s0 =	sld [smem:$0x3F9D];
	_ =	swait.ge [sflag:s4], $0x0  }
0x19: {  	s7 =	sld [smem:$0x3F9E]  }
0x1a: {  	s8 =	sadd.s32 $0xFFFFE003, lr  }
0x1b: {  	s9 =	sadd.s32 $0xFFFFFEF7, lr;
	s5 =	simm.s32 $0xFFFFFFFF;
	p2 =	slt.u32 s8, $0xFFFFF086  }
0x1c: {  	p1 =	slt.u32 s9, $0xF7A;
	s5 =	simm.s32 @!p2 $0x0  }
0x1d: {  	s5 =	simm.s32 @p1 $0x1;
	p0 =	seq.s32 s7, s2  }
0x1e: {  	s7 =	smul.u32 @!p0 $0xF7A, s2;
	p2 =	seq.s32 @!p0 s5, $0x0  }
0x1f: {  	s9 =	smul.u32 $0xF7A, s1;
	s8 =	simm.s32 @!p0 $0x1BF5;
	p2 =	por !p2, p0  }
0x20: {  	[sflag:s8] =	ssyncset.s32 @!p0 $0xFFFFF086;
	s6 =	sadd.s32 @!p0 s3, s7;
	s7 =	simm.s32 @!p0 $0x108  }
0x21: {  	s3 =	sadd.s32 s3, s9;
	s6 =	sadd.s32 @!p0 $0x88, s6;
	s7 =	simm.s32 @p2 $0x1082  }
0x22: {  	[simem:s7], [sflag:s8] =	dma.local @!p0 [hbm:s6], $0xF7A  }
0x23: {  	s9 =	sor.u32 $0xD0000000, s2;
	s6 =	simm.s32 $0x108;
	_ =	swait.ge @!p0 [sflag:s8], $0x0  }
0x24: {  	s3 =	sadd.s32 $0x88, s3;
	s6 =	simm.s32 @!p1 $0x1082;
	[sflag:s4] =	ssyncset.s32 $0xFFFFF086  }
0x25: {  	[simem:s6], [sflag:s4] =	dma.local [hbm:s3], $0xF7A  }
0x26: {  	[smem:$0x3F9E] =	sst s1;
	(tag) =	ssettag s2;
	_ =	strace s9  }
0x27: {  	s1 =	sld [smem:$0x3FAE]  }
0x28: {  	s2 =	sld [smem:$0x3FAF]  }
0x29: {  	s4 =	sld [smem:$0x3FB1]  }
0x2a: {  	p0 =	seq.s32 s5, $0x0;
	s5 =	sld [smem:$0x3FB2]  }
0x2b: {  	s6 =	sld [smem:$0x3FB3]  }
0x2c: {  	s7 =	sld [smem:$0x3FB4]  }
0x2d: {  	s3 =	simm.s32 $0x108;
	s8 =	sld [smem:$0x3FB5]  }
0x2e: {  	s3 =	simm.s32 @!p0 $0x1082;
	s9 =	sld [smem:$0x3FB6]  }
0x2f: {  	lr =	sadd.s32 s0, s3;
	s0 =	sld [smem:$0x3FAD]  }
0x30: {  	s3 =	sld [smem:$0x3FB0]  }
0x31: {  	[smem:$0x3FB9] =	sst s10  }
0x32: {  	s10 =	sld [smem:$0x3FB7];
	_ =	sdelay $0x3  }
0x33: {  	p0 =	seq.s32 s10, $0x1;
	s10 =	sld [smem:$0x3FB9];
	_ =	sdelay $0x3  }
0x34: {  	[smem:$0x3FB9] =	sst s10  }
0x35: {  	s10 =	sld [smem:$0x3FB8];
	_ =	sdelay $0x3  }
0x36: {  	p1 =	seq.s32 s10, $0x1;
	s10 =	sld [smem:$0x3FB9];
	_ =	sdelay $0x3  }
0x37: {  	[smem:$0x3FB9] =	sst s10  }
0x38: {  	s10 =	sld [smem:$0x3FBA]  }
0x39: {  	_ = 	snop;
	(pc) =	sbr.ind lr, $3  }
0x3a: {  	_ = 	snop  }
0x3b: {  	_ = 	snop  }
0x3c: {  	p2 =	seq.s32 s10, $0x1;
	s10 =	sld [smem:$0x3FB9]  }
0x3d: {  	_ =	shalt  }
0x3e: {  	_ =	shalt  }
0x3f: {  	_ =	shalt  }
0x40: {  	_ =	shalt  }
0x41: {  	_ =	shalt  }
0x42: {  	_ =	shalt  }
0x43: {  	_ =	shalt  }
0x44: {  	_ =	shalt  }
0x45: {  	_ =	shalt  }
0x46: {  	_ =	shalt  }
0x47: {  	_ =	shalt  }
0x48: {  	_ =	shalt  }
0x49: {  	_ =	shalt  }
0x4a: {  	_ =	shalt  }
0x4b: {  	_ =	shalt  }
0x4c: {  	_ =	shalt  }
0x4d: {  	_ =	shalt  }
0x4e: {  	_ =	shalt  }
0x4f: {  	_ =	shalt  }
0x50: {  	_ =	shalt  }
0x51: {  	_ =	shalt  }
0x52: {  	_ =	shalt  }
0x53: {  	_ =	shalt  }
0x54: {  	_ =	shalt  }
0x55: {  	_ =	shalt  }
0x56: {  	_ =	shalt  }
0x57: {  	_ =	shalt  }
0x58: {  	_ =	shalt  }
0x59: {  	_ =	shalt  }
0x5a: {  	_ =	shalt  }
0x5b: {  	_ =	shalt  }
0x5c: {  	_ =	shalt  }
0x5d: {  	_ =	shalt  }
0x5e: {  	_ =	shalt  }
0x5f: {  	_ =	shalt  }
0x60: {  	_ =	shalt  }
0x61: {  	_ =	shalt  }
0x62: {  	_ =	shalt  }
0x63: {  	_ =	shalt  }
0x64: {  	_ =	shalt  }
0x65: {  	_ =	shalt  }
0x66: {  	_ =	shalt  }
0x67: {  	_ =	shalt  }
0x68: {  	_ =	shalt  }
0x69: {  	_ =	shalt  }
0x6a: {  	_ =	shalt  }
0x6b: {  	_ =	shalt  }
0x6c: {  	_ =	shalt  }
0x6d: {  	_ =	shalt  }
0x6e: {  	_ =	shalt  }
0x6f: {  	_ =	shalt  }
0x70: {  	_ =	shalt  }
0x71: {  	_ =	shalt  }
0x72: {  	_ =	shalt  }
0x73: {  	_ =	shalt  }
0x74: {  	_ =	shalt  }
0x75: {  	_ =	shalt  }
0x76: {  	_ =	shalt  }
0x77: {  	_ =	shalt  }
0x78: {  	_ =	shalt  }
0x79: {  	_ =	shalt  }
0x7a: {  	_ =	shalt  }
0x7b: {  	_ =	shalt  }
0x7c: {  	_ =	shalt  }
0x7d: {  	_ =	shalt  }
0x7e: {  	_ =	shalt  }
0x7f: {  	_ =	shalt  }
0x80: {  	_ =	shalt  }
0x81: {  	_ =	shalt  }
0x82: {  	_ =	shalt  }
0x83: {  	_ =	shalt  }
0x84: {  	_ =	shalt  }
0x85: {  	_ =	shalt  }
0x86: {  	_ =	shalt  }
0x87: {  	_ =	shalt  }
.Lfunc_end0:
.L_simem_size_0:
called_computation_lowered:
.L_overlay_start_0:
0x88: {  	s2 =	sld [smem:$0x3FD9]  }
0x89: {  	s3 =	sld [smem:$0x3FFE];
	_ =	sdelay $0x1  }
0x8a: {  	s1 =	srdreg.scid  }
0x8b: {  	s0 =	sand.u32 $0x1, s1  }
0x8c: {  	s17 =	sshll.u32 s0, $0xA;
	s2 =	sadd.s32 s3, s2  }
0x8d: {  	s2 =	sadd.s32 s2, s17  }
0x8e: {  	[smem:$0x3FC5] =	sst s2  }
0x8f: {  	_ = 	snop  }
0x90: {  	s2 =	sld [smem:$0x3FC9]  }
0x91: {  	s18 =	sld [smem:$0x3FD0];
	(tm) =	ssettm $0x1  }
0x92: {  	s4 =	sld [smem:$0x3FFB];
	_ =	sdelay $0x3  }
0x93: {  	_ =	strace s4  }
0x94: {  	s4 =	sld [smem:$0x3FFC];
	_ =	sdelay $0x3  }
0x95: {  	_ =	strace s4  }
0x96: {  	s4 =	sld [smem:$0x3FFD];
	_ =	sdelay $0x3  }
0x97: {  	_ =	strace s4  }
0x98: {  	_ =	strace $0x8FFFFFFF  }
0x99: {  	s19 =	sld [smem:$0x3FDB];
	_ =	sdelay $0x1  }
0x9a: {  	s5 =	simm.s32 $_scs_section_size  }
0x9b: {  	s6 =	simm.s32 $_size__tile_overlayer_lowered;
	s7 =	simm.s32 $_tile_overlayer_lowered  }
0x9c: {  	s22 =	simm.s32 $0x1BFF;
	s21 =	sshll.u32 s7, $0x1;
	s4 =	sadd.s32 s5, s19  }
0x9d: {  	s8 =	simm.s32 $0x0;
	s20 =	sshll.u32 s6, $0x1;
	s6 =	sadd.s32 s21, s4  }
0x9e: {  	[timem:s8], [sflag:s22] =	dma.local [hbm:s6], s20  }
0x9f: {  	_ =	swait.ge [sflag:s22], s20  }
0xa0: {  	s5 =	ssub.s32 $0x0, s20;
	[sflag:s22] =	ssyncset.done $0x0  }
0xa1: {  	[sflag:s22] =	ssyncadd.s32 s5;
	_ =	sdelay $0x1  }
0xa2: {  	s23 =	simm.s32 $0x1B8B  }
0xa3: {  	_ =	swait.ge [sflag:s23], $0x1  }
0xa4: {  	[sflag:s23] =	ssyncset.done $0x0  }
0xa5: {  	s25 =	simm.s32 $0x1B8E;
	s24 =	sld [smem:$0x3FFE];
	[sflag:s23] =	ssyncadd.s32 $0xFFFFFFFF  }
0xa6: {  	s26 =	simm.s32 $execute0_lowered;
	[smem:$0x3FD2] =	sst s25  }
0xa7: {  	s6 =	sshll.u32 s26, $0x1;
	_ =	strace $0x80000046;
	[dreg:$0x1] =	wrdreg $0xFFFFFFFF  }
0xa8: {  	s28 =	simm.s32 $_size_execute0_lowered;
	s4 =	sadd.s32 s4, s6;
	[dreg:$0x0] =	wrdreg $0x0  }
0xa9: {  	s6 =	sshll.u32 s28, $0x1;
	[dreg:$0x2] =	wrdreg s4  }
0xaa: {  	[dreg:$0x3] =	wrdreg s6  }
0xab: {  	[dreg:$0x4] =	wrdreg $0xC0  }
0xac: {  	_ =	task [dreg:s8], $0x5FFFF  }
0xad: {  	[dreg:$0x1] =	wrdreg $0xFFFFFFFF  }
0xae: {  	[dreg:$0x0] =	wrdreg $0x60  }
0xaf: {  	[dreg:$0x2] =	wrdreg s2  }
0xb0: {  	[dreg:$0x3] =	wrdreg s24  }
0xb1: {  	[dreg:$0x4] =	wrdreg s18  }
0xb2: {  	[dreg:$0x5] =	wrdreg $0x9  }
0xb3: {  	_ =	task.clear_ibuf [dreg:s8], $0x6FFFF;
	_ =	strace $0x90000046  }
0xb4: {  	s29 =	simm.s32 $0x9;
	_ =	strace $0x80000048  }
0xb5: {  	_ =	swait.ge [sflag:s29], $0x1  }
0xb6: {  	[sflag:s29] =	ssyncadd.s32 $0xFFFFFFFF  }
0xb7: {  	_ =	strace $0x90000048  }
0xb8: {  	_ =	sfence  }
0xb9: {  	s30 =	sld [smem:$0x0];
	_ =	sdelay $0x2  }
0xba: {  	s31 =	sshll.u32 s1, $0xD;
	s1 =	sshrl.u32 s1, $0x2  }
0xbb: {  	s3 =	sand.u32 $0x4000, s31;
	s1 =	sadd.s32 s1, s30  }
0xbc: {  	s0 =	sor.u32 s3, s0;
	s1 =	sshll.u32 s1, $0x11  }
0xbd: {  	s0 =	sor.u32 s1, s0  }
0xbe: {  	s0 =	sadd.s32 $0x8F2B, s0  }
0xbf: {  	[sflag:s0] =	ssyncadd.remote.s32 $0x1  }
0xc0: {  	_ =	sfence.sel $0xFFFF  }
0xc1: {  	[dreg:$0x0] =	wrdreg $0xFFFFFFFF;
	(pc) =	sbr.abs _section_cstart, $3  }
0xc2: {  	[dreg:$0x1] =	wrdreg $0xFFFFFFFF  }
0xc3: {  	_ =	task.clear_ibuf [dreg:s8], $0x2FFFF;
	_ =	strace $0x9FFFFFFF  }
0xc4: {  	(tm) =	ssettm $0x7FFFFFFF  }
0xc5: {  	_ =	shalt  }
tec
execute0_lowered:
.L_overlay_start_1:
0x0: {  	(tag) =	ssettag $0x1  }
0x1: {  	s1 =	rddreg [dreg:$0x0]  }
0x2: {  	s0 =	rddreg [dreg:$0x1]  }
0x3: {  	s2 =	rddreg [dreg:$0x2];
	s3 =	simm.s32 $0x0;
	s4 =	srdreg.scid  }
0x4: {  	s8 =	stileid.u32;
	s10 =	simm.s32 $0x4;
	s11 =	simm.s32 $0x4000  }
0x5: {  	s12 =	simm.s32 $0x1;
	s13 =	simm.s32 $0x2;
	s14 =	simm.s32 $0xC120  }
0x6: {  	s15 =	simm.s32 $0xC220;
	s16 =	simm.s32 $0xC250;
	s17 =	simm.s32 $0xC1A0  }
0x7: {  	v0 =	vimm.s32 $0x3F2F1F0F;
	s18 =	simm.s32 $0xC0A0;
	s19 =	simm.s32 $0xC240;
	s20 =	simm.s32 $0xC360  }
0x8: {  	v1 =	vimm.s32 $0x7F6F5F4F;
	s21 =	simm.s32 $0xC460;
	s22 =	simm.s32 $0xC490;
	s23 =	simm.s32 $0xC3E0  }
0x9: {  	vm0 =	vcmask $0xF00;
	vm15 =	vcmask $0x1F10;
	s24 =	simm.s32 $0xC2E0;
	s25 =	simm.s32 $0xC480;
	s26 =	simm.s32 $0x8000  }
0xa: {  	v3 =	vimm.f32 $0.0e+00;
	v4 =	vimm.f32 $1.000000000e+00;
	v5 =	vimm.s32 $0x1;
	s28 =	simm.s32 $0x3;
	s29 =	simm.s32 $0x0;
	s4 =	sand.u32 $0x1, s4  }
0xb: {  	v6 =	vimm.s32 $0x2;
	v7 =	vimm.s32 $0x3;
	[smem:$0x7FF] =	sst s3;
	s5 =	sadd.s32 $0x400, s0;
	v0 =	vunpack.c.0.s8.s32 v0;
	s6 =	ssub.s32 $0x2, s4  }
0xc: {  	v8 =	vimm.s32 $0x4;
	v9 =	vimm.s32 $0x5;
	s8 =	sshll.u32 s8, $0x10;
	s0 =	sadd.s32 $0x100400, s0;
	v1 =	vunpack.c.0.s8.s32 v1;
	s7 =	sshrl.u32 s6, $0x1  }
0xd: {  	v10 =	vimm.s32 $0x6;
	v11 =	vimm.s32 $0x7;
	_ =	strace $0x80000047;
	s4 =	sshll.u32 s4, $0xF;
	v2 =	vnsel vm0, $0x7F, v0;
	s31 =	ssub.s32 s6, s7  }
0xe: {  	[dreg:$0x4] =	wrdreg s0;
	v0 =	vlaneseq.u32;
	s7 =	sor.u32 s4, s8;
	v1 =	vsel vm15, v1, v2;
	v2 =	vimm.s32 $0x17;
	s8 =	smax.u32 s31, $0x1  }
.LBB2_1:
0xf: {  	s0 =	rddreg [dreg:$0x4];
	s4 =	simm.s32 $0xC000  }
0x10: {  	[tilespmem:s4], [sflag:$0x4] =	stream.linear.gather [hbm4b:s0+s3], $0xA0, $0x38;
	[tilespmem:$0xC520] =	vst v63  }
0x11: {  	_ =	swait.ge [sflag:s10], $0xA0  }
0x12: {  	[sflag:s10] =	ssyncset.done $0x0  }
0x13: {  	[sflag:s10] =	ssyncadd.s32 $0xFFFFFF60  }
0x14: {  	v12 =	vld [tilespmem:$0xC000]  }
0x15: {  	s30 =	simm.s32 $0x0;
	v13 =	vld [tilespmem:$0xC010]  }
.LBB2_2:
0x16: {  	s0 =	sshll.u32 s30, $0xB  }
0x17: {  	s31 =	sadd.s32 s7, s0  }
0x18: {  	s0 =	simm.s32 $0x0;
	s4 =	sadd.s32 s5, s31  }
0x19: {  	[tilespmem:s0], [sflag:$0x1] =	stream.linear.gather [hbm4b:s4+s0], $0x4000, $0x38;
	[tilespmem:$0xC520] =	vst v63  }
0x1a: {  	s9 =	sadd.s32 s1, s31  }
0x1b: {  	[tilespmem:s11], [sflag:$0x2] =	stream.linear.gather [hbm4b:s9+s0], $0x4000, $0x38;
	[tilespmem:$0xC520] =	vst v63  }
0x1c: {  	_ =	swait.ge [sflag:s12], $0x4000  }
0x1d: {  	[sflag:s12] =	ssyncset.done $0x0  }
0x1e: {  	[sflag:s12] =	ssyncadd.s32 $0xFFFFC000  }
0x1f: {  	_ =	swait.ge [sflag:s13], $0x4000  }
0x20: {  	[sflag:s13] =	ssyncset.done $0x0  }
0x21: {  	s4 =	simm.s32 $0x8080;
	s9 =	simm.s32 $0x80;
	[sflag:s13] =	ssyncadd.s32 $0xFFFFC000  }
.LBB2_3:
0x22: {  	v14 =	vld [tilespmem:s9+$0xFFFFFF80]  }
0x23: {  	v15 =	vld [tilespmem:s9+$0xFFFFFF90]  }
0x24: {  	v16 =	vld [tilespmem:s9+$0xFFFFFFA0]  }
0x25: {  	v17 =	vld [tilespmem:s9+$0xFFFFFFB0]  }
0x26: {  	v18 =	vld [tilespmem:s9+$0xFFFFFFC0]  }
0x27: {  	v19 =	vld [tilespmem:s9+$0xFFFFFFD0]  }
0x28: {  	v21 =	vld [tilespmem:s9+$0xFFFFFFF0];
	v20 =	vadd.f32 $9.999999740e-06, v14  }
0x29: {  	v14 =	vld [tilespmem:s9+$0xFFFFFFE0];
	v15 =	vadd.f32 $9.999999740e-06, v15  }
0x2a: {  	v16 =	vadd.f32 $9.999999740e-06, v16;
	(xrf2) =	vadd.scan.msk.f32 $0xffff, v20  }
0x2b: {  	v17 =	vadd.f32 $9.999999740e-06, v17;
	(xrf2) =	vadd.scan.msk.f32 $0xffff, v15  }
0x2c: {  	v18 =	vadd.f32 $9.999999740e-06, v18;
	(xrf2) =	vadd.scan.msk.f32 $0xffff, v16  }
0x2d: {  	v19 =	vadd.f32 $9.999999740e-06, v19;
	(xrf2) =	vadd.scan.msk.f32 $0xffff, v17  }
0x2e: {  	v22 =	vadd.f32 $9.999999740e-06, v14;
	v14 =	vadd.f32 $9.999999740e-06, v21;
	(xrf2) =	vadd.scan.msk.f32 $0xffff, v18  }
0x2f: {  	vm0 =	veq.s32 v0, $0xF;
	(xrf2) =	vadd.scan.msk.f32 $0xffff, v19  }
0x30: {  	v14 =	vsel vm0, $0x0, v14;
	(xrf2) =	vadd.scan.msk.f32 $0xffff, v22  }
0x31: {  	(xrf2) =	vadd.scan.msk.f32 $0xffff, v14;
	_ =	sdelay $0x2  }
0x32: {  	v62, _, _ =	vpop (xrf2)  }
0x33: {  	[tilespmem:$0xC120] =	vst v62;
	v23, _, _ =	vpop (xrf2)  }
0x34: {  	[tilespmem:$0xC130] =	vst v23;
	v24, _, _ =	vpop (xrf2)  }
0x35: {  	[tilespmem:$0xC140] =	vst v24;
	v25, _, _ =	vpop (xrf2)  }
0x36: {  	[tilespmem:$0xC150] =	vst v25;
	v26, _, _ =	vpop (xrf2)  }
0x37: {  	[tilespmem:$0xC160] =	vst v26;
	v27, _, _ =	vpop (xrf2)  }
0x38: {  	[tilespmem:$0xC170] =	vst v27;
	v28, _, _ =	vpop (xrf2)  }
0x39: {  	[tilespmem:$0xC180] =	vst v28;
	v29, _, _ =	vpop (xrf2)  }
0x3a: {  	[tilespmem:$0xC190] =	vst v29  }
0x3b: {  	v30 =	vld.idx.msk [tilespmem:v1+s14+$0x0], $0xffff;
	_ =	sdelay $0x4  }
0x3c: {  	(xrf2) =	vadd.scan.msk.f32 $0xffff, v30;
	_ =	sdelay $0x9  }
0x3d: {  	v31, _, _ =	vpop (xrf2)  }
0x3e: {  	v30 =	vsub.f32 v31, v30  }
0x3f: {  	[tilespmem:$0xC230] =	vst v31  }
0x40: {  	[tilespmem:$0xC220] =	vst v30  }
0x41: {  	v30 =	vld.idx.msk [tilespmem:v2+s15+$0x0], $0xffff;
	_ =	sdelay $0x4  }
0x42: {  	(erf) = vrcp.f32 v30;
	_ =	sdelay $0x5  }
0x43: {  	v20 =	vsub.f32 v62, v20;
	_ =	sdelay $0x1  }
0x44: {  	v20 =	vadd.f32 $0.0e+00, v20  }
0x45: {  	v63 =	vpop (erf)  }
0x46: {  	v20 =	vmul.f32 v63, v20;
	_ =	sdelay $0x1  }
0x47: {  	v33 =	vsub.f32 v20, v12;
	_ =	sdelay $0x1  }
0x48: {  	v30 =	vmul.f32 v33, v13;
	_ =	sdelay $0x1  }
0x49: {  	v30 =	vadd.f32 $1.000000000e+00, v30;
	_ =	sdelay $0x1  }
0x4a: {  	[tilespmem:$0xC250] =	vst v3;
	v30 =	vtrunc.f32 v30  }
0x4b: {  	[tilespmem:$0xC260] =	vst v3;
	v30 =	vcvt.f32.s32 v30  }
0x4c: {  	[tilespmem:$0xC270] =	vst v3  }
0x4d: {  	[tilespmem:$0xC280] =	vst v3;
	vm1 =	vgt.s32 v30, $0x0  }
0x4e: {  	[tilespmem:$0xC290] =	vst v3;
	v30 =	vnsel vm1, $0x0, v30  }
0x4f: {  	[tilespmem:$0xC2A0] =	vst v3;
	v30 =	vmin.u32 v30, $0x80  }
0x50: {  	[tilespmem:$0xC2B0] =	vst v3  }
0x51: {  	[tilespmem:$0xC2C0] =	vst v3  }
0x52: {  	[tilespmem:$0xC2D0] =	vst v3  }
0x53: {  	[tilespmem:$0xC0A0] =	vst v20  }
0x54: {  	[tilespmem:v30+s16+$0x0] =	vst.idx.add.f32.msk $0xffff, v4  }
0x55: {  	v20 =	vld.idx.msk [tilespmem:v5+s15+$0x0], $0xffff;
	_ =	sdelay $0x2  }
0x56: {  	v15 =	vsub.f32 v23, v15;
	_ =	sdelay $0x1  }
0x57: {  	v15 =	vadd.f32 v20, v15;
	_ =	sdelay $0x1  }
0x58: {  	v15 =	vmul.f32 v15, v63;
	_ =	sdelay $0x1  }
0x59: {  	v34 =	vsub.f32 v15, v12;
	_ =	sdelay $0x1  }
0x5a: {  	v20 =	vmul.f32 v34, v13;
	_ =	sdelay $0x1  }
0x5b: {  	v20 =	vadd.f32 $1.000000000e+00, v20;
	_ =	sdelay $0x1  }
0x5c: {  	v20 =	vtrunc.f32 v20  }
0x5d: {  	v20 =	vcvt.f32.s32 v20;
	_ =	sdelay $0x1  }
0x5e: {  	vm13 =	vgt.s32 v20, $0x0  }
0x5f: {  	v20 =	vnsel vm13, $0x0, v20  }
0x60: {  	v20 =	vmin.u32 v20, $0x80;
	_ =	sdelay $0x3  }
0x61: {  	[tilespmem:$0xC0B0] =	vst v15  }
0x62: {  	[tilespmem:v20+s16+$0x0] =	vst.idx.add.f32.msk $0xffff, v4  }
0x63: {  	v15 =	vld.idx.msk [tilespmem:v6+s15+$0x0], $0xffff;
	_ =	sdelay $0x2  }
0x64: {  	v16 =	vsub.f32 v24, v16;
	_ =	sdelay $0x1  }
0x65: {  	v15 =	vadd.f32 v15, v16;
	_ =	sdelay $0x1  }
0x66: {  	v15 =	vmul.f32 v15, v63;
	_ =	sdelay $0x1  }
0x67: {  	v35 =	vsub.f32 v15, v12;
	_ =	sdelay $0x1  }
0x68: {  	v16 =	vmul.f32 v35, v13;
	_ =	sdelay $0x1  }
0x69: {  	v16 =	vadd.f32 $1.000000000e+00, v16;
	_ =	sdelay $0x1  }
0x6a: {  	v16 =	vtrunc.f32 v16  }
0x6b: {  	v16 =	vcvt.f32.s32 v16;
	_ =	sdelay $0x1  }
0x6c: {  	vm14 =	vgt.s32 v16, $0x0  }
0x6d: {  	v16 =	vnsel vm14, $0x0, v16  }
0x6e: {  	v16 =	vmin.u32 v16, $0x80;
	_ =	sdelay $0x3  }
0x6f: {  	[tilespmem:$0xC0C0] =	vst v15  }
0x70: {  	[tilespmem:v16+s16+$0x0] =	vst.idx.add.f32.msk $0xffff, v4  }
0x71: {  	v15 =	vld.idx.msk [tilespmem:v7+s15+$0x0], $0xffff;
	_ =	sdelay $0x2  }
0x72: {  	v36 =	vsub.f32 v25, v17;
	_ =	sdelay $0x1  }
0x73: {  	v15 =	vadd.f32 v15, v36;
	_ =	sdelay $0x1  }
0x74: {  	v15 =	vmul.f32 v15, v63;
	_ =	sdelay $0x1  }
0x75: {  	v37 =	vsub.f32 v15, v12;
	_ =	sdelay $0x1  }
0x76: {  	v16 =	vmul.f32 v37, v13;
	_ =	sdelay $0x1  }
0x77: {  	v16 =	vadd.f32 $1.000000000e+00, v16;
	_ =	sdelay $0x1  }
0x78: {  	v16 =	vtrunc.f32 v16  }
0x79: {  	v16 =	vcvt.f32.s32 v16;
	_ =	sdelay $0x1  }
0x7a: {  	vm15 =	vgt.s32 v16, $0x0  }
0x7b: {  	v16 =	vnsel vm15, $0x0, v16  }
0x7c: {  	v16 =	vmin.u32 v16, $0x80;
	_ =	sdelay $0x3  }
0x7d: {  	[tilespmem:$0xC0D0] =	vst v15  }
0x7e: {  	[tilespmem:v16+s16+$0x0] =	vst.idx.add.f32.msk $0xffff, v4  }
0x7f: {  	v15 =	vld.idx.msk [tilespmem:v8+s15+$0x0], $0xffff;
	_ =	sdelay $0x2  }
0x80: {  	v38 =	vsub.f32 v26, v18;
	_ =	sdelay $0x1  }
0x81: {  	v15 =	vadd.f32 v15, v38;
	_ =	sdelay $0x1  }
0x82: {  	v15 =	vmul.f32 v15, v63;
	_ =	sdelay $0x1  }
0x83: {  	v39 =	vsub.f32 v15, v12;
	_ =	sdelay $0x1  }
0x84: {  	v16 =	vmul.f32 v39, v13;
	_ =	sdelay $0x1  }
0x85: {  	v16 =	vadd.f32 $1.000000000e+00, v16;
	_ =	sdelay $0x1  }
0x86: {  	v16 =	vtrunc.f32 v16  }
0x87: {  	v16 =	vcvt.f32.s32 v16;
	_ =	sdelay $0x1  }
0x88: {  	vm4 =	vgt.s32 v16, $0x0  }
0x89: {  	v16 =	vnsel vm4, $0x0, v16  }
0x8a: {  	v16 =	vmin.u32 v16, $0x80;
	_ =	sdelay $0x3  }
0x8b: {  	[tilespmem:$0xC0E0] =	vst v15  }
0x8c: {  	[tilespmem:v16+s16+$0x0] =	vst.idx.add.f32.msk $0xffff, v4  }
0x8d: {  	v15 =	vld.idx.msk [tilespmem:v9+s15+$0x0], $0xffff;
	_ =	sdelay $0x2  }
0x8e: {  	v40 =	vsub.f32 v27, v19;
	_ =	sdelay $0x1  }
0x8f: {  	v15 =	vadd.f32 v15, v40;
	_ =	sdelay $0x1  }
0x90: {  	v15 =	vmul.f32 v15, v63;
	_ =	sdelay $0x1  }
0x91: {  	v41 =	vsub.f32 v15, v12;
	_ =	sdelay $0x1  }
0x92: {  	v16 =	vmul.f32 v41, v13;
	_ =	sdelay $0x1  }
0x93: {  	v16 =	vadd.f32 $1.000000000e+00, v16;
	_ =	sdelay $0x1  }
0x94: {  	v16 =	vtrunc.f32 v16  }
0x95: {  	v16 =	vcvt.f32.s32 v16;
	_ =	sdelay $0x1  }
0x96: {  	vm5 =	vgt.s32 v16, $0x0  }
0x97: {  	v16 =	vnsel vm5, $0x0, v16  }
0x98: {  	v16 =	vmin.u32 v16, $0x80;
	_ =	sdelay $0x3  }
0x99: {  	[tilespmem:$0xC0F0] =	vst v15  }
0x9a: {  	[tilespmem:v16+s16+$0x0] =	vst.idx.add.f32.msk $0xffff, v4  }
0x9b: {  	v15 =	vld.idx.msk [tilespmem:v10+s15+$0x0], $0xffff;
	_ =	sdelay $0x2  }
0x9c: {  	v42 =	vsub.f32 v28, v22;
	_ =	sdelay $0x1  }
0x9d: {  	v15 =	vadd.f32 v15, v42;
	_ =	sdelay $0x1  }
0x9e: {  	v15 =	vmul.f32 v15, v63;
	_ =	sdelay $0x1  }
0x9f: {  	v43 =	vsub.f32 v15, v12;
	_ =	sdelay $0x1  }
0xa0: {  	v16 =	vmul.f32 v43, v13;
	_ =	sdelay $0x1  }
0xa1: {  	v16 =	vadd.f32 $1.000000000e+00, v16;
	_ =	sdelay $0x1  }
0xa2: {  	v16 =	vtrunc.f32 v16  }
0xa3: {  	v16 =	vcvt.f32.s32 v16;
	_ =	sdelay $0x1  }
0xa4: {  	vm6 =	vgt.s32 v16, $0x0  }
0xa5: {  	v16 =	vnsel vm6, $0x0, v16  }
0xa6: {  	v16 =	vmin.u32 v16, $0x80;
	_ =	sdelay $0x3  }
0xa7: {  	[tilespmem:$0xC100] =	vst v15  }
0xa8: {  	[tilespmem:v16+s16+$0x0] =	vst.idx.add.f32.msk $0xffff, v4  }
0xa9: {  	v15 =	vld.idx.msk [tilespmem:v11+s15+$0x0], $0xffff;
	_ =	sdelay $0x2  }
0xaa: {  	v14 =	vsub.f32 v29, v14;
	_ =	sdelay $0x1  }
0xab: {  	v14 =	vadd.f32 v15, v14;
	_ =	sdelay $0x1  }
0xac: {  	v14 =	vmul.f32 v14, v63;
	_ =	sdelay $0x1  }
0xad: {  	v15 =	vsub.f32 v14, v12;
	_ =	sdelay $0x1  }
0xae: {  	v15 =	vmul.f32 v15, v13;
	_ =	sdelay $0x1  }
0xaf: {  	v15 =	vadd.f32 $1.000000000e+00, v15;
	_ =	sdelay $0x1  }
0xb0: {  	v15 =	vtrunc.f32 v15  }
0xb1: {  	v15 =	vcvt.f32.s32 v15;
	_ =	sdelay $0x1  }
0xb2: {  	vm7 =	vgt.s32 v15, $0x0  }
0xb3: {  	v15 =	vnsel vm7, $0x0, v15  }
0xb4: {  	v15 =	vmin.u32 v15, $0x80;
	_ =	sdelay $0x3  }
0xb5: {  	[tilespmem:$0xC110] =	vst v14  }
0xb6: {  	[tilespmem:v15+s16+$0x0] =	vst.idx.add.f32.msk $0xffff, v4  }
0xb7: {  	v14 =	vld [tilespmem:$0xC250]  }
0xb8: {  	v15 =	vld [tilespmem:$0xC260]  }
0xb9: {  	v16 =	vld [tilespmem:$0xC270]  }
0xba: {  	v44 =	vld [tilespmem:$0xC280]  }
0xbb: {  	v45 =	vld [tilespmem:$0xC290]  }
0xbc: {  	(xrf2) =	vadd.scan.msk.f32 $0xffff, v14;
	v14 =	vld [tilespmem:$0xC2A0]  }
0xbd: {  	(xrf2) =	vadd.scan.msk.f32 $0xffff, v15;
	v15 =	vld [tilespmem:$0xC2B0]  }
0xbe: {  	v46 =	vld [tilespmem:$0xC2C0];
	(xrf2) =	vadd.scan.msk.f32 $0xffff, v16  }
0xbf: {  	(xrf2) =	vadd.scan.msk.f32 $0xffff, v44  }
0xc0: {  	(xrf2) =	vadd.scan.msk.f32 $0xffff, v45  }
0xc1: {  	(xrf2) =	vadd.scan.msk.f32 $0xffff, v14  }
0xc2: {  	(xrf2) =	vadd.scan.msk.f32 $0xffff, v15  }
0xc3: {  	(xrf2) =	vadd.scan.msk.f32 $0xffff, v46;
	_ =	sdelay $0x2  }
0xc4: {  	v47, _, _ =	vpop (xrf2)  }
0xc5: {  	[tilespmem:$0xC1A0] =	vst v47;
	v48, _, _ =	vpop (xrf2)  }
0xc6: {  	[tilespmem:$0xC1B0] =	vst v48;
	v49, _, _ =	vpop (xrf2)  }
0xc7: {  	[tilespmem:$0xC1C0] =	vst v49;
	v50, _, _ =	vpop (xrf2)  }
0xc8: {  	[tilespmem:$0xC1D0] =	vst v50;
	v51, _, _ =	vpop (xrf2)  }
0xc9: {  	[tilespmem:$0xC1E0] =	vst v51;
	v52, _, _ =	vpop (xrf2)  }
0xca: {  	[tilespmem:$0xC1F0] =	vst v52;
	v15, _, _ =	vpop (xrf2)  }
0xcb: {  	[tilespmem:$0xC200] =	vst v15;
	v14, _, _ =	vpop (xrf2)  }
0xcc: {  	[tilespmem:$0xC210] =	vst v14  }
0xcd: {  	v53 =	vld.idx.msk [tilespmem:v1+s17+$0x0], $0xffff;
	_ =	sdelay $0x4  }
0xce: {  	(xrf2) =	vadd.scan.msk.f32 $0xffff, v53;
	_ =	sdelay $0x2  }
0xcf: {  	v17 =	vtrunc.f32 v47  }
0xd0: {  	v17 =	vcvt.f32.s32 v17;
	_ =	sdelay $0x1  }
0xd1: {  	v54 =	vadd.s32 $0xFFFFFFFF, v17  }
0xd2: {  	vm8 =	vgt.s32 v54, $0x0  }
0xd3: {  	vm9 =	vgt.s32 v17, $0x0;
	v23 =	vnsel vm8, $0x0, v54  }
0xd4: {  	v17 =	vnsel vm9, $0x0, v17;
	v23 =	vmin.u32 v23, $0x7F  }
0xd5: {  	v17 =	vmin.u32 v17, $0x7F;
	v55, _, _ =	vpop (xrf2)  }
0xd6: {  	v22 =	vsub.f32 v55, v53;
	_ =	sdelay $0x1  }
0xd7: {  	[tilespmem:$0xC240] =	vst v22  }
0xd8: {  	v22 =	vld.idx.msk [tilespmem:v23+s18+$0x0], $0xffff  }
0xd9: {  	v56 =	vld.idx.msk [tilespmem:v17+s18+$0x0], $0xffff;
	_ =	sdelay $0x4  }
0xda: {  	v24 =	vsub.f32 v56, v22;
	_ =	sdelay $0x1  }
0xdb: {  	vm10 =	vlt.f32 v24, $9.999999740e-06  }
0xdc: {  	v23 =	vor.u32 s0, v23;
	v24 =	vsel vm10, $0x3F800000, v24  }
0xdd: {  	v17 =	vor.u32 s0, v17;
	(erf) = vrcp.f32 v24;
	_ =	sdelay $0x2  }
0xde: {  	v57 =	vld [tilespmem:$0xC020]  }
0xdf: {  	v23 =	vld.idx.msk [tilespmem:v23+s11+$0x0], $0xffff  }
0xe0: {  	v17 =	vld.idx.msk [tilespmem:v17+s11+$0x0], $0xffff;
	_ =	sdelay $0x2  }
0xe1: {  	v22 =	vsub.f32 v57, v22  }
0xe2: {  	v58 =	vpop (erf)  }
0xe3: {  	v17 =	vsub.f32 v17, v23;
	v22 =	vmul.f32 v58, v22;
	_ =	sdelay $0x1  }
0xe4: {  	v17 =	vmul.f32 v22, v17;
	_ =	sdelay $0x1  }
0xe5: {  	v17 =	vadd.f32 v17, v23;
	_ =	sdelay $0x1  }
0xe6: {  	[tilespmem:s4+$0xFFFFFF80] =	vst v17  }
0xe7: {  	v17 =	vld.idx.msk [tilespmem:v5+s19+$0x0], $0xffff;
	_ =	sdelay $0x4  }
0xe8: {  	v17 =	vadd.f32 v17, v48;
	_ =	sdelay $0x1  }
0xe9: {  	v17 =	vtrunc.f32 v17  }
0xea: {  	v17 =	vcvt.f32.s32 v17;
	_ =	sdelay $0x1  }
0xeb: {  	v59 =	vadd.s32 $0xFFFFFFFF, v17;
	vm12 =	vgt.s32 v17, $0x0  }
0xec: {  	vm11 =	vgt.s32 v59, $0x0;
	v17 =	vnsel vm12, $0x0, v17  }
0xed: {  	v18 =	vnsel vm11, $0x0, v59;
	v17 =	vmin.u32 v17, $0x7F  }
0xee: {  	v18 =	vmin.u32 v18, $0x7F;
	_ =	sdelay $0x3  }
0xef: {  	v61 =	vld.idx.msk [tilespmem:v17+s18+$0x0], $0xffff  }
0xf0: {  	v60 =	vld.idx.msk [tilespmem:v18+s18+$0x0], $0xffff;
	_ =	sdelay $0x4  }
0xf1: {  	v23 =	vsub.f32 v61, v60;
	_ =	sdelay $0x1  }
0xf2: {  	vm13 =	vlt.f32 v23, $9.999999740e-06  }
0xf3: {  	v17 =	vor.u32 s0, v17;
	v23 =	vsel vm13, $0x3F800000, v23  }
0xf4: {  	v18 =	vor.u32 s0, v18;
	(erf) = vrcp.f32 v23;
	_ =	sdelay $0x2  }
0xf5: {  	v62 =	vld [tilespmem:$0xC030]  }
0xf6: {  	v17 =	vld.idx.msk [tilespmem:v17+s11+$0x0], $0xffff  }
0xf7: {  	v18 =	vld.idx.msk [tilespmem:v18+s11+$0x0], $0xffff;
	_ =	sdelay $0x2  }
0xf8: {  	v22 =	vsub.f32 v62, v60  }
0xf9: {  	v63 =	vpop (erf)  }
0xfa: {  	v17 =	vsub.f32 v17, v18;
	v22 =	vmul.f32 v63, v22;
	_ =	sdelay $0x1  }
0xfb: {  	v17 =	vmul.f32 v22, v17;
	_ =	sdelay $0x1  }
0xfc: {  	v17 =	vadd.f32 v17, v18;
	_ =	sdelay $0x1  }
0xfd: {  	[tilespmem:s4+$0xFFFFFF90] =	vst v17  }
0xfe: {  	v17 =	vld.idx.msk [tilespmem:v6+s19+$0x0], $0xffff;
	_ =	sdelay $0x4  }
0xff: {  	v17 =	vadd.f32 v17, v49;
	_ =	sdelay $0x1  }
0x100: {  	v17 =	vtrunc.f32 v17  }
0x101: {  	v17 =	vcvt.f32.s32 v17;
	_ =	sdelay $0x1  }
0x102: {  	v24 =	vadd.s32 $0xFFFFFFFF, v17;
	vm15 =	vgt.s32 v17, $0x0  }
0x103: {  	vm14 =	vgt.s32 v24, $0x0;
	v17 =	vnsel vm15, $0x0, v17  }
0x104: {  	v18 =	vnsel vm14, $0x0, v24;
	v17 =	vmin.u32 v17, $0x7F  }
0x105: {  	v18 =	vmin.u32 v18, $0x7F;
	_ =	sdelay $0x3  }
0x106: {  	v26 =	vld.idx.msk [tilespmem:v17+s18+$0x0], $0xffff  }
0x107: {  	v25 =	vld.idx.msk [tilespmem:v18+s18+$0x0], $0xffff;
	_ =	sdelay $0x4  }
0x108: {  	v22 =	vsub.f32 v26, v25;
	_ =	sdelay $0x1  }
0x109: {  	vm4 =	vlt.f32 v22, $9.999999740e-06  }
0x10a: {  	v17 =	vor.u32 s0, v17;
	v22 =	vsel vm4, $0x3F800000, v22  }
0x10b: {  	v18 =	vor.u32 s0, v18;
	(erf) = vrcp.f32 v22;
	_ =	sdelay $0x2  }
0x10c: {  	v27 =	vld [tilespmem:$0xC040]  }
0x10d: {  	v17 =	vld.idx.msk [tilespmem:v17+s11+$0x0], $0xffff  }
0x10e: {  	v18 =	vld.idx.msk [tilespmem:v18+s11+$0x0], $0xffff;
	_ =	sdelay $0x2  }
0x10f: {  	v19 =	vsub.f32 v27, v25  }
0x110: {  	v28 =	vpop (erf)  }
0x111: {  	v17 =	vsub.f32 v17, v18;
	v19 =	vmul.f32 v28, v19;
	_ =	sdelay $0x1  }
0x112: {  	v17 =	vmul.f32 v19, v17;
	_ =	sdelay $0x1  }
0x113: {  	v17 =	vadd.f32 v17, v18;
	_ =	sdelay $0x1  }
0x114: {  	[tilespmem:s4+$0xFFFFFFA0] =	vst v17  }
0x115: {  	v17 =	vld.idx.msk [tilespmem:v7+s19+$0x0], $0xffff;
	_ =	sdelay $0x4  }
0x116: {  	v17 =	vadd.f32 v17, v50;
	_ =	sdelay $0x1  }
0x117: {  	v17 =	vtrunc.f32 v17  }
0x118: {  	v17 =	vcvt.f32.s32 v17;
	_ =	sdelay $0x1  }
0x119: {  	v29 =	vadd.s32 $0xFFFFFFFF, v17;
	vm6 =	vgt.s32 v17, $0x0  }
0x11a: {  	vm5 =	vgt.s32 v29, $0x0;
	v17 =	vnsel vm6, $0x0, v17  }
0x11b: {  	v18 =	vnsel vm5, $0x0, v29;
	v17 =	vmin.u32 v17, $0x7F  }
0x11c: {  	v18 =	vmin.u32 v18, $0x7F;
	_ =	sdelay $0x3  }
0x11d: {  	v31 =	vld.idx.msk [tilespmem:v17+s18+$0x0], $0xffff  }
0x11e: {  	v30 =	vld.idx.msk [tilespmem:v18+s18+$0x0], $0xffff;
	_ =	sdelay $0x4  }
0x11f: {  	v20 =	vsub.f32 v31, v30;
	_ =	sdelay $0x1  }
0x120: {  	vm7 =	vlt.f32 v20, $9.999999740e-06  }
0x121: {  	v17 =	vor.u32 s0, v17;
	v20 =	vsel vm7, $0x3F800000, v20  }
0x122: {  	v18 =	vor.u32 s0, v18;
	(erf) = vrcp.f32 v20;
	_ =	sdelay $0x2  }
0x123: {  	v32 =	vld [tilespmem:$0xC050]  }
0x124: {  	v17 =	vld.idx.msk [tilespmem:v17+s11+$0x0], $0xffff  }
0x125: {  	v18 =	vld.idx.msk [tilespmem:v18+s11+$0x0], $0xffff;
	_ =	sdelay $0x2  }
0x126: {  	v19 =	vsub.f32 v32, v30  }
0x127: {  	v33 =	vpop (erf)  }
0x128: {  	v17 =	vsub.f32 v17, v18;
	v19 =	vmul.f32 v33, v19;
	_ =	sdelay $0x1  }
0x129: {  	v17 =	vmul.f32 v19, v17;
	_ =	sdelay $0x1  }
0x12a: {  	v17 =	vadd.f32 v17, v18;
	_ =	sdelay $0x1  }
0x12b: {  	[tilespmem:s4+$0xFFFFFFB0] =	vst v17  }
0x12c: {  	v17 =	vld.idx.msk [tilespmem:v8+s19+$0x0], $0xffff;
	_ =	sdelay $0x4  }
0x12d: {  	v17 =	vadd.f32 v17, v51;
	_ =	sdelay $0x1  }
0x12e: {  	v17 =	vtrunc.f32 v17  }
0x12f: {  	v17 =	vcvt.f32.s32 v17;
	_ =	sdelay $0x1  }
0x130: {  	v34 =	vadd.s32 $0xFFFFFFFF, v17;
	vm9 =	vgt.s32 v17, $0x0  }
0x131: {  	vm8 =	vgt.s32 v34, $0x0;
	v17 =	vnsel vm9, $0x0, v17  }
0x132: {  	v18 =	vnsel vm8, $0x0, v34;
	v17 =	vmin.u32 v17, $0x7F  }
0x133: {  	v18 =	vmin.u32 v18, $0x7F;
	_ =	sdelay $0x3  }
0x134: {  	v36 =	vld.idx.msk [tilespmem:v17+s18+$0x0], $0xffff  }
0x135: {  	v35 =	vld.idx.msk [tilespmem:v18+s18+$0x0], $0xffff;
	_ =	sdelay $0x4  }
0x136: {  	v20 =	vsub.f32 v36, v35;
	_ =	sdelay $0x1  }
0x137: {  	vm10 =	vlt.f32 v20, $9.999999740e-06  }
0x138: {  	v17 =	vor.u32 s0, v17;
	v20 =	vsel vm10, $0x3F800000, v20  }
0x139: {  	v18 =	vor.u32 s0, v18;
	(erf) = vrcp.f32 v20;
	_ =	sdelay $0x2  }
0x13a: {  	v37 =	vld [tilespmem:$0xC060]  }
0x13b: {  	v17 =	vld.idx.msk [tilespmem:v17+s11+$0x0], $0xffff  }
0x13c: {  	v18 =	vld.idx.msk [tilespmem:v18+s11+$0x0], $0xffff;
	_ =	sdelay $0x2  }
0x13d: {  	v19 =	vsub.f32 v37, v35  }
0x13e: {  	v38 =	vpop (erf)  }
0x13f: {  	v17 =	vsub.f32 v17, v18;
	v19 =	vmul.f32 v38, v19;
	_ =	sdelay $0x1  }
0x140: {  	v17 =	vmul.f32 v19, v17;
	_ =	sdelay $0x1  }
0x141: {  	v17 =	vadd.f32 v17, v18;
	_ =	sdelay $0x1  }
0x142: {  	[tilespmem:s4+$0xFFFFFFC0] =	vst v17  }
0x143: {  	v17 =	vld.idx.msk [tilespmem:v9+s19+$0x0], $0xffff;
	_ =	sdelay $0x4  }
0x144: {  	v16 =	vadd.f32 v17, v52;
	_ =	sdelay $0x1  }
0x145: {  	v16 =	vtrunc.f32 v16  }
0x146: {  	v16 =	vcvt.f32.s32 v16;
	_ =	sdelay $0x1  }
0x147: {  	v39 =	vadd.s32 $0xFFFFFFFF, v16;
	vm12 =	vgt.s32 v16, $0x0  }
0x148: {  	vm11 =	vgt.s32 v39, $0x0;
	v16 =	vnsel vm12, $0x0, v16  }
0x149: {  	v17 =	vnsel vm11, $0x0, v39;
	v16 =	vmin.u32 v16, $0x7F  }
0x14a: {  	v17 =	vmin.u32 v17, $0x7F;
	_ =	sdelay $0x3  }
0x14b: {  	v41 =	vld.idx.msk [tilespmem:v16+s18+$0x0], $0xffff  }
0x14c: {  	v40 =	vld.idx.msk [tilespmem:v17+s18+$0x0], $0xffff;
	_ =	sdelay $0x4  }
0x14d: {  	v19 =	vsub.f32 v41, v40;
	_ =	sdelay $0x1  }
0x14e: {  	vm13 =	vlt.f32 v19, $9.999999740e-06  }
0x14f: {  	v16 =	vor.u32 s0, v16;
	v19 =	vsel vm13, $0x3F800000, v19  }
0x150: {  	v17 =	vor.u32 s0, v17;
	(erf) = vrcp.f32 v19;
	_ =	sdelay $0x2  }
0x151: {  	v42 =	vld [tilespmem:$0xC070]  }
0x152: {  	v16 =	vld.idx.msk [tilespmem:v16+s11+$0x0], $0xffff  }
0x153: {  	v17 =	vld.idx.msk [tilespmem:v17+s11+$0x0], $0xffff;
	_ =	sdelay $0x2  }
0x154: {  	v18 =	vsub.f32 v42, v40  }
0x155: {  	v43 =	vpop (erf)  }
0x156: {  	v16 =	vsub.f32 v16, v17;
	v18 =	vmul.f32 v43, v18;
	_ =	sdelay $0x1  }
0x157: {  	v16 =	vmul.f32 v18, v16;
	_ =	sdelay $0x1  }
0x158: {  	v16 =	vadd.f32 v16, v17;
	_ =	sdelay $0x1  }
0x159: {  	[tilespmem:s4+$0xFFFFFFD0] =	vst v16  }
0x15a: {  	v16 =	vld.idx.msk [tilespmem:v10+s19+$0x0], $0xffff;
	_ =	sdelay $0x4  }
0x15b: {  	v15 =	vadd.f32 v16, v15;
	_ =	sdelay $0x1  }
0x15c: {  	v15 =	vtrunc.f32 v15  }
0x15d: {  	v15 =	vcvt.f32.s32 v15;
	_ =	sdelay $0x1  }
0x15e: {  	v44 =	vadd.s32 $0xFFFFFFFF, v15;
	vm15 =	vgt.s32 v15, $0x0  }
0x15f: {  	vm14 =	vgt.s32 v44, $0x0;
	v15 =	vnsel vm15, $0x0, v15  }
0x160: {  	v16 =	vnsel vm14, $0x0, v44;
	v15 =	vmin.u32 v15, $0x7F  }
0x161: {  	v16 =	vmin.u32 v16, $0x7F;
	_ =	sdelay $0x3  }
0x162: {  	v46 =	vld.idx.msk [tilespmem:v15+s18+$0x0], $0xffff  }
0x163: {  	v45 =	vld.idx.msk [tilespmem:v16+s18+$0x0], $0xffff;
	_ =	sdelay $0x4  }
0x164: {  	v18 =	vsub.f32 v46, v45;
	_ =	sdelay $0x1  }
0x165: {  	vm4 =	vlt.f32 v18, $9.999999740e-06  }
0x166: {  	v15 =	vor.u32 s0, v15;
	v18 =	vsel vm4, $0x3F800000, v18  }
0x167: {  	v16 =	vor.u32 s0, v16;
	(erf) = vrcp.f32 v18;
	_ =	sdelay $0x2  }
0x168: {  	v47 =	vld [tilespmem:$0xC080]  }
0x169: {  	v15 =	vld.idx.msk [tilespmem:v15+s11+$0x0], $0xffff  }
0x16a: {  	v16 =	vld.idx.msk [tilespmem:v16+s11+$0x0], $0xffff;
	_ =	sdelay $0x2  }
0x16b: {  	v17 =	vsub.f32 v47, v45  }
0x16c: {  	v48 =	vpop (erf)  }
0x16d: {  	v15 =	vsub.f32 v15, v16;
	v17 =	vmul.f32 v48, v17;
	_ =	sdelay $0x1  }
0x16e: {  	v15 =	vmul.f32 v17, v15;
	_ =	sdelay $0x1  }
0x16f: {  	v15 =	vadd.f32 v15, v16;
	_ =	sdelay $0x1  }
0x170: {  	[tilespmem:s4+$0xFFFFFFE0] =	vst v15  }
0x171: {  	v15 =	vld.idx.msk [tilespmem:v11+s19+$0x0], $0xffff;
	_ =	sdelay $0x4  }
0x172: {  	v14 =	vadd.f32 v15, v14;
	_ =	sdelay $0x1  }
0x173: {  	v14 =	vtrunc.f32 v14  }
0x174: {  	v14 =	vcvt.f32.s32 v14;
	_ =	sdelay $0x1  }
0x175: {  	v15 =	vadd.s32 $0xFFFFFFFF, v14;
	vm6 =	vgt.s32 v14, $0x0  }
0x176: {  	vm5 =	vgt.s32 v15, $0x0;
	v14 =	vnsel vm6, $0x0, v14  }
0x177: {  	v15 =	vnsel vm5, $0x0, v15;
	v14 =	vmin.u32 v14, $0x7F  }
0x178: {  	v15 =	vmin.u32 v15, $0x7F;
	_ =	sdelay $0x3  }
0x179: {  	v50 =	vld.idx.msk [tilespmem:v14+s18+$0x0], $0xffff  }
0x17a: {  	v49 =	vld.idx.msk [tilespmem:v15+s18+$0x0], $0xffff;
	_ =	sdelay $0x4  }
0x17b: {  	v17 =	vsub.f32 v50, v49;
	_ =	sdelay $0x1  }
0x17c: {  	vm7 =	vlt.f32 v17, $9.999999740e-06  }
0x17d: {  	v14 =	vor.u32 s0, v14;
	v17 =	vsel vm7, $0x3F800000, v17  }
0x17e: {  	v15 =	vor.u32 s0, v15;
	(erf) = vrcp.f32 v17;
	_ =	sdelay $0x2  }
0x17f: {  	v51 =	vld [tilespmem:$0xC090]  }
0x180: {  	v14 =	vld.idx.msk [tilespmem:v14+s11+$0x0], $0xffff  }
0x181: {  	v15 =	vld.idx.msk [tilespmem:v15+s11+$0x0], $0xffff;
	_ =	sdelay $0x2  }
0x182: {  	v16 =	vsub.f32 v51, v49  }
0x183: {  	v52 =	vpop (erf)  }
0x184: {  	v14 =	vsub.f32 v14, v15;
	v16 =	vmul.f32 v52, v16;
	_ =	sdelay $0x1  }
0x185: {  	v14 =	vmul.f32 v16, v14;
	_ =	sdelay $0x1  }
0x186: {  	v14 =	vadd.f32 v14, v15;
	_ =	sdelay $0x1  }
0x187: {  	[tilespmem:s4+$0xFFFFFFF0] =	vst v14  }
0x188: {  	v14 =	vld [tilespmem:s9+$0x0]  }
0x189: {  	v15 =	vld [tilespmem:s9+$0x10]  }
0x18a: {  	v53 =	vld [tilespmem:s9+$0x20]  }
0x18b: {  	v54 =	vld [tilespmem:s9+$0x30]  }
0x18c: {  	v55 =	vld [tilespmem:s9+$0x40]  }
0x18d: {  	v56 =	vld [tilespmem:s9+$0x50]  }
0x18e: {  	v58 =	vld [tilespmem:s9+$0x70];
	v57 =	vadd.f32 $9.999999740e-06, v14  }
0x18f: {  	v14 =	vld [tilespmem:s9+$0x60];
	v15 =	vadd.f32 $9.999999740e-06, v15  }
0x190: {  	v16 =	vadd.f32 $9.999999740e-06, v53;
	(xrf2) =	vadd.scan.msk.f32 $0xffff, v57  }
0x191: {  	v17 =	vadd.f32 $9.999999740e-06, v54;
	(xrf2) =	vadd.scan.msk.f32 $0xffff, v15  }
0x192: {  	v18 =	vadd.f32 $9.999999740e-06, v55;
	(xrf2) =	vadd.scan.msk.f32 $0xffff, v16  }
0x193: {  	v19 =	vadd.f32 $9.999999740e-06, v56;
	(xrf2) =	vadd.scan.msk.f32 $0xffff, v17  }
0x194: {  	v59 =	vadd.f32 $9.999999740e-06, v14;
	v14 =	vadd.f32 $9.999999740e-06, v58;
	(xrf2) =	vadd.scan.msk.f32 $0xffff, v18  }
0x195: {  	(xrf2) =	vadd.scan.msk.f32 $0xffff, v19  }
0x196: {  	v14 =	vsel vm0, $0x0, v14;
	(xrf2) =	vadd.scan.msk.f32 $0xffff, v59  }
0x197: {  	(xrf2) =	vadd.scan.msk.f32 $0xffff, v14;
	_ =	sdelay $0x2  }
0x198: {  	v60, _, _ =	vpop (xrf2)  }
0x199: {  	[tilespmem:$0xC360] =	vst v60;
	v61, _, _ =	vpop (xrf2)  }
0x19a: {  	[tilespmem:$0xC370] =	vst v61;
	v62, _, _ =	vpop (xrf2)  }
0x19b: {  	[tilespmem:$0xC380] =	vst v62;
	v63, _, _ =	vpop (xrf2)  }
0x19c: {  	[tilespmem:$0xC390] =	vst v63;
	v33, _, _ =	vpop (xrf2)  }
0x19d: {  	[tilespmem:$0xC3A0] =	vst v33;
	v34, _, _ =	vpop (xrf2)  }
0x19e: {  	[tilespmem:$0xC3B0] =	vst v34;
	v35, _, _ =	vpop (xrf2)  }
0x19f: {  	[tilespmem:$0xC3C0] =	vst v35;
	v36, _, _ =	vpop (xrf2)  }
0x1a0: {  	[tilespmem:$0xC3D0] =	vst v36  }
0x1a1: {  	v30 =	vld.idx.msk [tilespmem:v1+s20+$0x0], $0xffff;
	_ =	sdelay $0x4  }
0x1a2: {  	(xrf2) =	vadd.scan.msk.f32 $0xffff, v30;
	_ =	sdelay $0x9  }
0x1a3: {  	v37, _, _ =	vpop (xrf2)  }
0x1a4: {  	v30 =	vsub.f32 v37, v30  }
0x1a5: {  	[tilespmem:$0xC470] =	vst v37  }
0x1a6: {  	[tilespmem:$0xC460] =	vst v30  }
0x1a7: {  	v30 =	vld.idx.msk [tilespmem:v2+s21+$0x0], $0xffff;
	_ =	sdelay $0x4  }
0x1a8: {  	(erf) = vrcp.f32 v30;
	_ =	sdelay $0x5  }
0x1a9: {  	v20 =	vsub.f32 v60, v57;
	_ =	sdelay $0x1  }
0x1aa: {  	v20 =	vadd.f32 $0.0e+00, v20  }
0x1ab: {  	v38 =	vpop (erf)  }
0x1ac: {  	v20 =	vmul.f32 v38, v20;
	_ =	sdelay $0x1  }
0x1ad: {  	v39 =	vsub.f32 v20, v12;
	_ =	sdelay $0x1  }
0x1ae: {  	v30 =	vmul.f32 v39, v13;
	_ =	sdelay $0x1  }
0x1af: {  	v30 =	vadd.f32 $1.000000000e+00, v30;
	_ =	sdelay $0x1  }
0x1b0: {  	[tilespmem:$0xC490] =	vst v3;
	v40 =	vtrunc.f32 v30  }
0x1b1: {  	[tilespmem:$0xC2E0] =	vst v20;
	v20 =	vcvt.f32.s32 v40  }
0x1b2: {  	[tilespmem:$0xC4A0] =	vst v3  }
0x1b3: {  	[tilespmem:$0xC4B0] =	vst v3;
	vm8 =	vgt.s32 v20, $0x0  }
0x1b4: {  	[tilespmem:$0xC4C0] =	vst v3;
	v20 =	vnsel vm8, $0x0, v20  }
0x1b5: {  	[tilespmem:$0xC4D0] =	vst v3;
	v20 =	vmin.u32 v20, $0x80  }
0x1b6: {  	[tilespmem:$0xC4E0] =	vst v3  }
0x1b7: {  	[tilespmem:$0xC4F0] =	vst v3  }
0x1b8: {  	[tilespmem:$0xC500] =	vst v3  }
0x1b9: {  	[tilespmem:$0xC510] =	vst v3  }
0x1ba: {  	[tilespmem:v20+s22+$0x0] =	vst.idx.add.f32.msk $0xffff, v4  }
0x1bb: {  	v20 =	vld.idx.msk [tilespmem:v5+s21+$0x0], $0xffff;
	_ =	sdelay $0x2  }
0x1bc: {  	v15 =	vsub.f32 v61, v15;
	_ =	sdelay $0x1  }
0x1bd: {  	v15 =	vadd.f32 v20, v15;
	_ =	sdelay $0x1  }
0x1be: {  	v15 =	vmul.f32 v15, v38;
	_ =	sdelay $0x1  }
0x1bf: {  	v41 =	vsub.f32 v15, v12;
	_ =	sdelay $0x1  }
0x1c0: {  	v20 =	vmul.f32 v41, v13;
	_ =	sdelay $0x1  }
0x1c1: {  	v20 =	vadd.f32 $1.000000000e+00, v20;
	_ =	sdelay $0x1  }
0x1c2: {  	v20 =	vtrunc.f32 v20  }
0x1c3: {  	v20 =	vcvt.f32.s32 v20;
	_ =	sdelay $0x1  }
0x1c4: {  	vm9 =	vgt.s32 v20, $0x0  }
0x1c5: {  	v20 =	vnsel vm9, $0x0, v20  }
0x1c6: {  	v20 =	vmin.u32 v20, $0x80;
	_ =	sdelay $0x3  }
0x1c7: {  	[tilespmem:$0xC2F0] =	vst v15  }
0x1c8: {  	[tilespmem:v20+s22+$0x0] =	vst.idx.add.f32.msk $0xffff, v4  }
0x1c9: {  	v15 =	vld.idx.msk [tilespmem:v6+s21+$0x0], $0xffff;
	_ =	sdelay $0x2  }
0x1ca: {  	v16 =	vsub.f32 v62, v16;
	_ =	sdelay $0x1  }
0x1cb: {  	v15 =	vadd.f32 v15, v16;
	_ =	sdelay $0x1  }
0x1cc: {  	v15 =	vmul.f32 v15, v38;
	_ =	sdelay $0x1  }
0x1cd: {  	v42 =	vsub.f32 v15, v12;
	_ =	sdelay $0x1  }
0x1ce: {  	v16 =	vmul.f32 v42, v13;
	_ =	sdelay $0x1  }
0x1cf: {  	v16 =	vadd.f32 $1.000000000e+00, v16;
	_ =	sdelay $0x1  }
0x1d0: {  	v16 =	vtrunc.f32 v16  }
0x1d1: {  	v16 =	vcvt.f32.s32 v16;
	_ =	sdelay $0x1  }
0x1d2: {  	vm10 =	vgt.s32 v16, $0x0  }
0x1d3: {  	v16 =	vnsel vm10, $0x0, v16  }
0x1d4: {  	v16 =	vmin.u32 v16, $0x80;
	_ =	sdelay $0x3  }
0x1d5: {  	[tilespmem:$0xC300] =	vst v15  }
0x1d6: {  	[tilespmem:v16+s22+$0x0] =	vst.idx.add.f32.msk $0xffff, v4  }
0x1d7: {  	v15 =	vld.idx.msk [tilespmem:v7+s21+$0x0], $0xffff;
	_ =	sdelay $0x2  }
0x1d8: {  	v43 =	vsub.f32 v63, v17;
	_ =	sdelay $0x1  }
0x1d9: {  	v15 =	vadd.f32 v15, v43;
	_ =	sdelay $0x1  }
0x1da: {  	v15 =	vmul.f32 v15, v38;
	_ =	sdelay $0x1  }
0x1db: {  	v44 =	vsub.f32 v15, v12;
	_ =	sdelay $0x1  }
0x1dc: {  	v16 =	vmul.f32 v44, v13;
	_ =	sdelay $0x1  }
0x1dd: {  	v16 =	vadd.f32 $1.000000000e+00, v16;
	_ =	sdelay $0x1  }
0x1de: {  	v16 =	vtrunc.f32 v16  }
0x1df: {  	v16 =	vcvt.f32.s32 v16;
	_ =	sdelay $0x1  }
0x1e0: {  	vm11 =	vgt.s32 v16, $0x0  }
0x1e1: {  	v16 =	vnsel vm11, $0x0, v16  }
0x1e2: {  	v16 =	vmin.u32 v16, $0x80;
	_ =	sdelay $0x3  }
0x1e3: {  	[tilespmem:$0xC310] =	vst v15  }
0x1e4: {  	[tilespmem:v16+s22+$0x0] =	vst.idx.add.f32.msk $0xffff, v4  }
0x1e5: {  	v15 =	vld.idx.msk [tilespmem:v8+s21+$0x0], $0xffff;
	_ =	sdelay $0x2  }
0x1e6: {  	v45 =	vsub.f32 v33, v18;
	_ =	sdelay $0x1  }
0x1e7: {  	v15 =	vadd.f32 v15, v45;
	_ =	sdelay $0x1  }
0x1e8: {  	v15 =	vmul.f32 v15, v38;
	_ =	sdelay $0x1  }
0x1e9: {  	v46 =	vsub.f32 v15, v12;
	_ =	sdelay $0x1  }
0x1ea: {  	v16 =	vmul.f32 v46, v13;
	_ =	sdelay $0x1  }
0x1eb: {  	v16 =	vadd.f32 $1.000000000e+00, v16;
	_ =	sdelay $0x1  }
0x1ec: {  	v16 =	vtrunc.f32 v16  }
0x1ed: {  	v16 =	vcvt.f32.s32 v16;
	_ =	sdelay $0x1  }
0x1ee: {  	vm12 =	vgt.s32 v16, $0x0  }
0x1ef: {  	v16 =	vnsel vm12, $0x0, v16  }
0x1f0: {  	v16 =	vmin.u32 v16, $0x80;
	_ =	sdelay $0x3  }
0x1f1: {  	[tilespmem:$0xC320] =	vst v15  }
0x1f2: {  	[tilespmem:v16+s22+$0x0] =	vst.idx.add.f32.msk $0xffff, v4  }
0x1f3: {  	v15 =	vld.idx.msk [tilespmem:v9+s21+$0x0], $0xffff;
	_ =	sdelay $0x2  }
0x1f4: {  	v47 =	vsub.f32 v34, v19;
	_ =	sdelay $0x1  }
0x1f5: {  	v15 =	vadd.f32 v15, v47;
	_ =	sdelay $0x1  }
0x1f6: {  	v15 =	vmul.f32 v15, v38;
	_ =	sdelay $0x1  }
0x1f7: {  	v48 =	vsub.f32 v15, v12;
	_ =	sdelay $0x1  }
0x1f8: {  	v16 =	vmul.f32 v48, v13;
	_ =	sdelay $0x1  }
0x1f9: {  	v16 =	vadd.f32 $1.000000000e+00, v16;
	_ =	sdelay $0x1  }
0x1fa: {  	v16 =	vtrunc.f32 v16  }
0x1fb: {  	v16 =	vcvt.f32.s32 v16;
	_ =	sdelay $0x1  }
0x1fc: {  	vm13 =	vgt.s32 v16, $0x0  }
0x1fd: {  	v16 =	vnsel vm13, $0x0, v16  }
0x1fe: {  	v16 =	vmin.u32 v16, $0x80;
	_ =	sdelay $0x3  }
0x1ff: {  	[tilespmem:$0xC330] =	vst v15  }
0x200: {  	[tilespmem:v16+s22+$0x0] =	vst.idx.add.f32.msk $0xffff, v4  }
0x201: {  	v15 =	vld.idx.msk [tilespmem:v10+s21+$0x0], $0xffff;
	_ =	sdelay $0x2  }
0x202: {  	v49 =	vsub.f32 v35, v59;
	_ =	sdelay $0x1  }
0x203: {  	v15 =	vadd.f32 v15, v49;
	_ =	sdelay $0x1  }
0x204: {  	v15 =	vmul.f32 v15, v38;
	_ =	sdelay $0x1  }
0x205: {  	v50 =	vsub.f32 v15, v12;
	_ =	sdelay $0x1  }
0x206: {  	v16 =	vmul.f32 v50, v13;
	_ =	sdelay $0x1  }
0x207: {  	v16 =	vadd.f32 $1.000000000e+00, v16;
	_ =	sdelay $0x1  }
0x208: {  	v16 =	vtrunc.f32 v16  }
0x209: {  	v16 =	vcvt.f32.s32 v16;
	_ =	sdelay $0x1  }
0x20a: {  	vm14 =	vgt.s32 v16, $0x0  }
0x20b: {  	v16 =	vnsel vm14, $0x0, v16  }
0x20c: {  	v16 =	vmin.u32 v16, $0x80;
	_ =	sdelay $0x3  }
0x20d: {  	[tilespmem:$0xC340] =	vst v15  }
0x20e: {  	[tilespmem:v16+s22+$0x0] =	vst.idx.add.f32.msk $0xffff, v4  }
0x20f: {  	v15 =	vld.idx.msk [tilespmem:v11+s21+$0x0], $0xffff;
	_ =	sdelay $0x2  }
0x210: {  	v14 =	vsub.f32 v36, v14;
	_ =	sdelay $0x1  }
0x211: {  	v14 =	vadd.f32 v15, v14;
	_ =	sdelay $0x1  }
0x212: {  	v14 =	vmul.f32 v14, v38;
	_ =	sdelay $0x1  }
0x213: {  	v15 =	vsub.f32 v14, v12;
	_ =	sdelay $0x1  }
0x214: {  	v15 =	vmul.f32 v15, v13;
	_ =	sdelay $0x1  }
0x215: {  	v15 =	vadd.f32 $1.000000000e+00, v15;
	_ =	sdelay $0x1  }
0x216: {  	v15 =	vtrunc.f32 v15  }
0x217: {  	v15 =	vcvt.f32.s32 v15;
	_ =	sdelay $0x1  }
0x218: {  	vm15 =	vgt.s32 v15, $0x0  }
0x219: {  	v15 =	vnsel vm15, $0x0, v15  }
0x21a: {  	v15 =	vmin.u32 v15, $0x80;
	_ =	sdelay $0x3  }
0x21b: {  	[tilespmem:$0xC350] =	vst v14  }
0x21c: {  	[tilespmem:v15+s22+$0x0] =	vst.idx.add.f32.msk $0xffff, v4  }
0x21d: {  	v14 =	vld [tilespmem:$0xC490]  }
0x21e: {  	v15 =	vld [tilespmem:$0xC4A0]  }
0x21f: {  	v16 =	vld [tilespmem:$0xC4B0]  }
0x220: {  	v51 =	vld [tilespmem:$0xC4C0]  }
0x221: {  	v52 =	vld [tilespmem:$0xC4D0]  }
0x222: {  	(xrf2) =	vadd.scan.msk.f32 $0xffff, v14;
	v14 =	vld [tilespmem:$0xC4E0]  }
0x223: {  	(xrf2) =	vadd.scan.msk.f32 $0xffff, v15;
	v15 =	vld [tilespmem:$0xC4F0]  }
0x224: {  	v53 =	vld [tilespmem:$0xC500];
	(xrf2) =	vadd.scan.msk.f32 $0xffff, v16  }
0x225: {  	(xrf2) =	vadd.scan.msk.f32 $0xffff, v51  }
0x226: {  	(xrf2) =	vadd.scan.msk.f32 $0xffff, v52  }
0x227: {  	(xrf2) =	vadd.scan.msk.f32 $0xffff, v14  }
0x228: {  	(xrf2) =	vadd.scan.msk.f32 $0xffff, v15  }
0x229: {  	(xrf2) =	vadd.scan.msk.f32 $0xffff, v53;
	_ =	sdelay $0x2  }
0x22a: {  	v54, _, _ =	vpop (xrf2)  }
0x22b: {  	v55, _, _ =	vpop (xrf2);
	[tilespmem:$0xC3E0] =	vst v54  }
0x22c: {  	v56, _, _ =	vpop (xrf2);
	[tilespmem:$0xC3F0] =	vst v55  }
0x22d: {  	v57, _, _ =	vpop (xrf2);
	[tilespmem:$0xC400] =	vst v56  }
0x22e: {  	v58, _, _ =	vpop (xrf2);
	[tilespmem:$0xC410] =	vst v57  }
0x22f: {  	v59, _, _ =	vpop (xrf2);
	[tilespmem:$0xC420] =	vst v58  }
0x230: {  	v15, _, _ =	vpop (xrf2);
	[tilespmem:$0xC430] =	vst v59  }
0x231: {  	[tilespmem:$0xC440] =	vst v15;
	v14, _, _ =	vpop (xrf2)  }
0x232: {  	[tilespmem:$0xC450] =	vst v14  }
0x233: {  	v60 =	vld.idx.msk [tilespmem:v1+s23+$0x0], $0xffff;
	_ =	sdelay $0x4  }
0x234: {  	(xrf2) =	vadd.scan.msk.f32 $0xffff, v60;
	_ =	sdelay $0x2  }
0x235: {  	v18 =	vtrunc.f32 v54  }
0x236: {  	v18 =	vcvt.f32.s32 v18;
	_ =	sdelay $0x1  }
0x237: {  	v61 =	vadd.s32 $0xFFFFFFFF, v18  }
0x238: {  	vm4 =	vgt.s32 v61, $0x0  }
0x239: {  	vm5 =	vgt.s32 v18, $0x0;
	v23 =	vnsel vm4, $0x0, v61  }
0x23a: {  	v18 =	vnsel vm5, $0x0, v18;
	v23 =	vmin.u32 v23, $0x7F  }
0x23b: {  	v18 =	vmin.u32 v18, $0x7F;
	v62, _, _ =	vpop (xrf2)  }
0x23c: {  	v22 =	vsub.f32 v62, v60;
	_ =	sdelay $0x1  }
0x23d: {  	[tilespmem:$0xC480] =	vst v22  }
0x23e: {  	v22 =	vld.idx.msk [tilespmem:v23+s24+$0x0], $0xffff  }
0x23f: {  	v63 =	vld.idx.msk [tilespmem:v18+s24+$0x0], $0xffff;
	_ =	sdelay $0x4  }
0x240: {  	v24 =	vsub.f32 v63, v22;
	_ =	sdelay $0x1  }
0x241: {  	s6 =	sadd.s32 $0x80, s0;
	vm6 =	vlt.f32 v24, $9.999999740e-06  }
0x242: {  	v23 =	vor.u32 s6, v23;
	v24 =	vsel vm6, $0x3F800000, v24  }
0x243: {  	v18 =	vor.u32 s6, v18;
	(erf) = vrcp.f32 v24;
	_ =	sdelay $0x2  }
0x244: {  	v28 =	vld [tilespmem:$0xC020]  }
0x245: {  	v23 =	vld.idx.msk [tilespmem:v23+s11+$0x0], $0xffff  }
0x246: {  	v18 =	vld.idx.msk [tilespmem:v18+s11+$0x0], $0xffff;
	_ =	sdelay $0x2  }
0x247: {  	v22 =	vsub.f32 v28, v22  }
0x248: {  	v29 =	vpop (erf)  }
0x249: {  	v18 =	vsub.f32 v18, v23;
	v22 =	vmul.f32 v29, v22;
	_ =	sdelay $0x1  }
0x24a: {  	v18 =	vmul.f32 v22, v18;
	_ =	sdelay $0x1  }
0x24b: {  	v18 =	vadd.f32 v18, v23;
	_ =	sdelay $0x1  }
0x24c: {  	[tilespmem:s4+$0x0] =	vst v18  }
0x24d: {  	v18 =	vld.idx.msk [tilespmem:v5+s25+$0x0], $0xffff;
	_ =	sdelay $0x4  }
0x24e: {  	v18 =	vadd.f32 v18, v55;
	_ =	sdelay $0x1  }
0x24f: {  	v18 =	vtrunc.f32 v18  }
0x250: {  	v18 =	vcvt.f32.s32 v18;
	_ =	sdelay $0x1  }
0x251: {  	v30 =	vadd.s32 $0xFFFFFFFF, v18;
	vm8 =	vgt.s32 v18, $0x0  }
0x252: {  	vm7 =	vgt.s32 v30, $0x0;
	v18 =	vnsel vm8, $0x0, v18  }
0x253: {  	v19 =	vnsel vm7, $0x0, v30;
	v18 =	vmin.u32 v18, $0x7F  }
0x254: {  	v19 =	vmin.u32 v19, $0x7F;
	_ =	sdelay $0x3  }
0x255: {  	v32 =	vld.idx.msk [tilespmem:v18+s24+$0x0], $0xffff  }
0x256: {  	v31 =	vld.idx.msk [tilespmem:v19+s24+$0x0], $0xffff;
	_ =	sdelay $0x4  }
0x257: {  	v23 =	vsub.f32 v32, v31;
	_ =	sdelay $0x1  }
0x258: {  	vm9 =	vlt.f32 v23, $9.999999740e-06  }
0x259: {  	v18 =	vor.u32 s6, v18;
	v23 =	vsel vm9, $0x3F800000, v23  }
0x25a: {  	v19 =	vor.u32 s6, v19;
	(erf) = vrcp.f32 v23;
	_ =	sdelay $0x2  }
0x25b: {  	v33 =	vld [tilespmem:$0xC030]  }
0x25c: {  	v18 =	vld.idx.msk [tilespmem:v18+s11+$0x0], $0xffff  }
0x25d: {  	v19 =	vld.idx.msk [tilespmem:v19+s11+$0x0], $0xffff;
	_ =	sdelay $0x2  }
0x25e: {  	v22 =	vsub.f32 v33, v31  }
0x25f: {  	v34 =	vpop (erf)  }
0x260: {  	v18 =	vsub.f32 v18, v19;
	v22 =	vmul.f32 v34, v22;
	_ =	sdelay $0x1  }
0x261: {  	v18 =	vmul.f32 v22, v18;
	_ =	sdelay $0x1  }
0x262: {  	v18 =	vadd.f32 v18, v19;
	_ =	sdelay $0x1  }
0x263: {  	[tilespmem:s4+$0x10] =	vst v18  }
0x264: {  	v18 =	vld.idx.msk [tilespmem:v6+s25+$0x0], $0xffff;
	_ =	sdelay $0x4  }
0x265: {  	v18 =	vadd.f32 v18, v56;
	_ =	sdelay $0x1  }
0x266: {  	v18 =	vtrunc.f32 v18  }
0x267: {  	v18 =	vcvt.f32.s32 v18;
	_ =	sdelay $0x1  }
0x268: {  	v35 =	vadd.s32 $0xFFFFFFFF, v18;
	vm11 =	vgt.s32 v18, $0x0  }
0x269: {  	vm10 =	vgt.s32 v35, $0x0;
	v18 =	vnsel vm11, $0x0, v18  }
0x26a: {  	v19 =	vnsel vm10, $0x0, v35;
	v18 =	vmin.u32 v18, $0x7F  }
0x26b: {  	v19 =	vmin.u32 v19, $0x7F;
	_ =	sdelay $0x3  }
0x26c: {  	v37 =	vld.idx.msk [tilespmem:v18+s24+$0x0], $0xffff  }
0x26d: {  	v36 =	vld.idx.msk [tilespmem:v19+s24+$0x0], $0xffff;
	_ =	sdelay $0x4  }
0x26e: {  	v22 =	vsub.f32 v37, v36;
	_ =	sdelay $0x1  }
0x26f: {  	vm12 =	vlt.f32 v22, $9.999999740e-06  }
0x270: {  	v18 =	vor.u32 s6, v18;
	v22 =	vsel vm12, $0x3F800000, v22  }
0x271: {  	v19 =	vor.u32 s6, v19;
	(erf) = vrcp.f32 v22;
	_ =	sdelay $0x2  }
0x272: {  	v38 =	vld [tilespmem:$0xC040]  }
0x273: {  	v18 =	vld.idx.msk [tilespmem:v18+s11+$0x0], $0xffff  }
0x274: {  	v19 =	vld.idx.msk [tilespmem:v19+s11+$0x0], $0xffff;
	_ =	sdelay $0x2  }
0x275: {  	v20 =	vsub.f32 v38, v36  }
0x276: {  	v39 =	vpop (erf)  }
0x277: {  	v18 =	vsub.f32 v18, v19;
	v20 =	vmul.f32 v39, v20;
	_ =	sdelay $0x1  }
0x278: {  	v18 =	vmul.f32 v20, v18;
	_ =	sdelay $0x1  }
0x279: {  	v18 =	vadd.f32 v18, v19;
	_ =	sdelay $0x1  }
0x27a: {  	[tilespmem:s4+$0x20] =	vst v18  }
0x27b: {  	v18 =	vld.idx.msk [tilespmem:v7+s25+$0x0], $0xffff;
	_ =	sdelay $0x4  }
0x27c: {  	v18 =	vadd.f32 v18, v57;
	_ =	sdelay $0x1  }
0x27d: {  	v18 =	vtrunc.f32 v18  }
0x27e: {  	v18 =	vcvt.f32.s32 v18;
	_ =	sdelay $0x1  }
0x27f: {  	v40 =	vadd.s32 $0xFFFFFFFF, v18;
	vm14 =	vgt.s32 v18, $0x0  }
0x280: {  	vm13 =	vgt.s32 v40, $0x0;
	v18 =	vnsel vm14, $0x0, v18  }
0x281: {  	v19 =	vnsel vm13, $0x0, v40;
	v18 =	vmin.u32 v18, $0x7F  }
0x282: {  	v19 =	vmin.u32 v19, $0x7F;
	_ =	sdelay $0x3  }
0x283: {  	v42 =	vld.idx.msk [tilespmem:v18+s24+$0x0], $0xffff  }
0x284: {  	v41 =	vld.idx.msk [tilespmem:v19+s24+$0x0], $0xffff;
	_ =	sdelay $0x4  }
0x285: {  	v21 =	vsub.f32 v42, v41;
	_ =	sdelay $0x1  }
0x286: {  	vm15 =	vlt.f32 v21, $9.999999740e-06  }
0x287: {  	v18 =	vor.u32 s6, v18;
	v21 =	vsel vm15, $0x3F800000, v21  }
0x288: {  	v19 =	vor.u32 s6, v19;
	(erf) = vrcp.f32 v21;
	_ =	sdelay $0x2  }
0x289: {  	v43 =	vld [tilespmem:$0xC050]  }
0x28a: {  	v18 =	vld.idx.msk [tilespmem:v18+s11+$0x0], $0xffff  }
0x28b: {  	v19 =	vld.idx.msk [tilespmem:v19+s11+$0x0], $0xffff;
	_ =	sdelay $0x2  }
0x28c: {  	v20 =	vsub.f32 v43, v41  }
0x28d: {  	v44 =	vpop (erf)  }
0x28e: {  	v18 =	vsub.f32 v18, v19;
	v20 =	vmul.f32 v44, v20;
	_ =	sdelay $0x1  }
0x28f: {  	v18 =	vmul.f32 v20, v18;
	_ =	sdelay $0x1  }
0x290: {  	v18 =	vadd.f32 v18, v19;
	_ =	sdelay $0x1  }
0x291: {  	[tilespmem:s4+$0x30] =	vst v18  }
0x292: {  	v18 =	vld.idx.msk [tilespmem:v8+s25+$0x0], $0xffff;
	_ =	sdelay $0x4  }
0x293: {  	v17 =	vadd.f32 v18, v58;
	_ =	sdelay $0x1  }
0x294: {  	v17 =	vtrunc.f32 v17  }
0x295: {  	v17 =	vcvt.f32.s32 v17;
	_ =	sdelay $0x1  }
0x296: {  	v45 =	vadd.s32 $0xFFFFFFFF, v17;
	vm5 =	vgt.s32 v17, $0x0  }
0x297: {  	vm4 =	vgt.s32 v45, $0x0;
	v17 =	vnsel vm5, $0x0, v17  }
0x298: {  	v18 =	vnsel vm4, $0x0, v45;
	v17 =	vmin.u32 v17, $0x7F  }
0x299: {  	v18 =	vmin.u32 v18, $0x7F;
	_ =	sdelay $0x3  }
0x29a: {  	v47 =	vld.idx.msk [tilespmem:v17+s24+$0x0], $0xffff  }
0x29b: {  	v46 =	vld.idx.msk [tilespmem:v18+s24+$0x0], $0xffff;
	_ =	sdelay $0x4  }
0x29c: {  	v20 =	vsub.f32 v47, v46;
	_ =	sdelay $0x1  }
0x29d: {  	vm6 =	vlt.f32 v20, $9.999999740e-06  }
0x29e: {  	v17 =	vor.u32 s6, v17;
	v20 =	vsel vm6, $0x3F800000, v20  }
0x29f: {  	v18 =	vor.u32 s6, v18;
	(erf) = vrcp.f32 v20;
	_ =	sdelay $0x2  }
0x2a0: {  	v48 =	vld [tilespmem:$0xC060]  }
0x2a1: {  	v17 =	vld.idx.msk [tilespmem:v17+s11+$0x0], $0xffff  }
0x2a2: {  	v18 =	vld.idx.msk [tilespmem:v18+s11+$0x0], $0xffff;
	_ =	sdelay $0x2  }
0x2a3: {  	v19 =	vsub.f32 v48, v46  }
0x2a4: {  	v49 =	vpop (erf)  }
0x2a5: {  	v17 =	vsub.f32 v17, v18;
	v19 =	vmul.f32 v49, v19;
	_ =	sdelay $0x1  }
0x2a6: {  	v17 =	vmul.f32 v19, v17;
	_ =	sdelay $0x1  }
0x2a7: {  	v17 =	vadd.f32 v17, v18;
	_ =	sdelay $0x1  }
0x2a8: {  	[tilespmem:s4+$0x40] =	vst v17  }
0x2a9: {  	v17 =	vld.idx.msk [tilespmem:v9+s25+$0x0], $0xffff;
	_ =	sdelay $0x4  }
0x2aa: {  	v16 =	vadd.f32 v17, v59;
	_ =	sdelay $0x1  }
0x2ab: {  	v16 =	vtrunc.f32 v16  }
0x2ac: {  	v16 =	vcvt.f32.s32 v16;
	_ =	sdelay $0x1  }
0x2ad: {  	v50 =	vadd.s32 $0xFFFFFFFF, v16;
	vm8 =	vgt.s32 v16, $0x0  }
0x2ae: {  	vm7 =	vgt.s32 v50, $0x0;
	v16 =	vnsel vm8, $0x0, v16  }
0x2af: {  	v17 =	vnsel vm7, $0x0, v50;
	v16 =	vmin.u32 v16, $0x7F  }
0x2b0: {  	v17 =	vmin.u32 v17, $0x7F;
	_ =	sdelay $0x3  }
0x2b1: {  	v52 =	vld.idx.msk [tilespmem:v16+s24+$0x0], $0xffff  }
0x2b2: {  	v51 =	vld.idx.msk [tilespmem:v17+s24+$0x0], $0xffff;
	_ =	sdelay $0x4  }
0x2b3: {  	v19 =	vsub.f32 v52, v51;
	_ =	sdelay $0x1  }
0x2b4: {  	vm9 =	vlt.f32 v19, $9.999999740e-06  }
0x2b5: {  	v16 =	vor.u32 s6, v16;
	v19 =	vsel vm9, $0x3F800000, v19  }
0x2b6: {  	v17 =	vor.u32 s6, v17;
	(erf) = vrcp.f32 v19;
	_ =	sdelay $0x2  }
0x2b7: {  	v53 =	vld [tilespmem:$0xC070]  }
0x2b8: {  	v16 =	vld.idx.msk [tilespmem:v16+s11+$0x0], $0xffff  }
0x2b9: {  	v17 =	vld.idx.msk [tilespmem:v17+s11+$0x0], $0xffff;
	_ =	sdelay $0x2  }
0x2ba: {  	v18 =	vsub.f32 v53, v51  }
0x2bb: {  	v54 =	vpop (erf)  }
0x2bc: {  	v16 =	vsub.f32 v16, v17;
	v18 =	vmul.f32 v54, v18;
	_ =	sdelay $0x1  }
0x2bd: {  	v16 =	vmul.f32 v18, v16;
	_ =	sdelay $0x1  }
0x2be: {  	v16 =	vadd.f32 v16, v17;
	_ =	sdelay $0x1  }
0x2bf: {  	[tilespmem:s4+$0x50] =	vst v16  }
0x2c0: {  	v16 =	vld.idx.msk [tilespmem:v10+s25+$0x0], $0xffff;
	_ =	sdelay $0x4  }
0x2c1: {  	v15 =	vadd.f32 v16, v15;
	_ =	sdelay $0x1  }
0x2c2: {  	v15 =	vtrunc.f32 v15  }
0x2c3: {  	v15 =	vcvt.f32.s32 v15;
	_ =	sdelay $0x1  }
0x2c4: {  	v55 =	vadd.s32 $0xFFFFFFFF, v15;
	vm11 =	vgt.s32 v15, $0x0  }
0x2c5: {  	vm10 =	vgt.s32 v55, $0x0;
	v15 =	vnsel vm11, $0x0, v15  }
0x2c6: {  	v16 =	vnsel vm10, $0x0, v55;
	v15 =	vmin.u32 v15, $0x7F  }
0x2c7: {  	v16 =	vmin.u32 v16, $0x7F;
	_ =	sdelay $0x3  }
0x2c8: {  	v57 =	vld.idx.msk [tilespmem:v15+s24+$0x0], $0xffff  }
0x2c9: {  	v56 =	vld.idx.msk [tilespmem:v16+s24+$0x0], $0xffff;
	_ =	sdelay $0x4  }
0x2ca: {  	v18 =	vsub.f32 v57, v56;
	_ =	sdelay $0x1  }
0x2cb: {  	vm12 =	vlt.f32 v18, $9.999999740e-06  }
0x2cc: {  	v15 =	vor.u32 s6, v15;
	v18 =	vsel vm12, $0x3F800000, v18  }
0x2cd: {  	v16 =	vor.u32 s6, v16;
	(erf) = vrcp.f32 v18;
	_ =	sdelay $0x2  }
0x2ce: {  	v58 =	vld [tilespmem:$0xC080]  }
0x2cf: {  	v15 =	vld.idx.msk [tilespmem:v15+s11+$0x0], $0xffff  }
0x2d0: {  	v16 =	vld.idx.msk [tilespmem:v16+s11+$0x0], $0xffff;
	_ =	sdelay $0x2  }
0x2d1: {  	v17 =	vsub.f32 v58, v56  }
0x2d2: {  	v59 =	vpop (erf)  }
0x2d3: {  	v15 =	vsub.f32 v15, v16;
	v17 =	vmul.f32 v59, v17;
	_ =	sdelay $0x1  }
0x2d4: {  	v15 =	vmul.f32 v17, v15;
	_ =	sdelay $0x1  }
0x2d5: {  	v15 =	vadd.f32 v15, v16;
	_ =	sdelay $0x1  }
0x2d6: {  	[tilespmem:s4+$0x60] =	vst v15  }
0x2d7: {  	v15 =	vld.idx.msk [tilespmem:v11+s25+$0x0], $0xffff;
	_ =	sdelay $0x4  }
0x2d8: {  	v14 =	vadd.f32 v15, v14;
	_ =	sdelay $0x1  }
0x2d9: {  	v14 =	vtrunc.f32 v14  }
0x2da: {  	v14 =	vcvt.f32.s32 v14;
	_ =	sdelay $0x1  }
0x2db: {  	v15 =	vadd.s32 $0xFFFFFFFF, v14;
	vm14 =	vgt.s32 v14, $0x0  }
0x2dc: {  	vm13 =	vgt.s32 v15, $0x0;
	v14 =	vnsel vm14, $0x0, v14  }
0x2dd: {  	v15 =	vnsel vm13, $0x0, v15;
	v14 =	vmin.u32 v14, $0x7F  }
0x2de: {  	v15 =	vmin.u32 v15, $0x7F;
	_ =	sdelay $0x3  }
0x2df: {  	v61 =	vld.idx.msk [tilespmem:v14+s24+$0x0], $0xffff  }
0x2e0: {  	v60 =	vld.idx.msk [tilespmem:v15+s24+$0x0], $0xffff;
	_ =	sdelay $0x4  }
0x2e1: {  	v17 =	vsub.f32 v61, v60;
	_ =	sdelay $0x1  }
0x2e2: {  	vm15 =	vlt.f32 v17, $9.999999740e-06  }
0x2e3: {  	v14 =	vor.u32 s6, v14;
	v17 =	vsel vm15, $0x3F800000, v17  }
0x2e4: {  	v15 =	vor.u32 s6, v15;
	(erf) = vrcp.f32 v17;
	_ =	sdelay $0x2  }
0x2e5: {  	v62 =	vld [tilespmem:$0xC090]  }
0x2e6: {  	v14 =	vld.idx.msk [tilespmem:v14+s11+$0x0], $0xffff  }
0x2e7: {  	v15 =	vld.idx.msk [tilespmem:v15+s11+$0x0], $0xffff;
	_ =	sdelay $0x2  }
0x2e8: {  	v16 =	vsub.f32 v62, v60  }
0x2e9: {  	v63 =	vpop (erf)  }
0x2ea: {  	v14 =	vsub.f32 v14, v15;
	v16 =	vmul.f32 v63, v16  }
0x2eb: {  	p0 =	sne.s32 s0, $0x3F00  }
.Ltmp0:
0x2ec: {  	v14 =	vmul.f32 v16, v14;
	(pc) =	sbr.rel @p0 .LBB2_3-.Ltmp0, $3  }
0x2ed: {  	_ = 	snop  }
0x2ee: {  	v14 =	vadd.f32 v14, v15;
	_ =	sdelay $0x1  }
0x2ef: {  	s0 =	sadd.s32 $0x100, s0;
	s9 =	sadd.s32 $0x100, s9;
	[tilespmem:s4+$0x70] =	vst v14;
	s4 =	sadd.s32 $0x100, s4  }
0x2f0: {  	s30 =	sadd.s32 $0x1, s30  }
0x2f1: {  	p0 =	sne.s32 s30, $0x10  }
.Ltmp1:
0x2f2: {  	s0 =	sadd.s32 s2, s31;
	(pc) =	sbr.rel @p0 .LBB2_2-.Ltmp1, $4  }
0x2f3: {  	[hbm4b:s0+s3] =	stream.linear.scatter [tilespmem:s26], [sflag:$0x3], $0x4000, $0x38;
	[tilespmem:$0xC520] =	vst v63  }
0x2f4: {  	_ =	swait.ge [sflag:s28], $0x4000  }
0x2f5: {  	[sflag:s28] =	ssyncset.done $0x0  }
0x2f6: {  	[sflag:s28] =	ssyncadd.s32 $0xFFFFC000  }
0x2f7: {  	s29 =	sadd.s32 $0x1, s29  }
0x2f8: {  	p0 =	sne.s32 s29, s8  }
.Ltmp2:
0x2f9: {  	_ = 	snop;
	(pc) =	sbr.rel @p0 .LBB2_1-.Ltmp2, $1  }
0x2fa: {  	_ =	sdelay $0x3  }
0x2fb: {  	_ =	sfence.sel $0x180000  }
0x2fc: {  	[bflag:$0x0] =	sbarrier.arrive $0xFFFF  }
0x2fd: {  	_ =	strace $0x90000047  }
0x2fe: {  	s0 =	stileid.u32;
	[bflag:$0x2] =	sbarrier.arrive $0xFFFF  }
0x2ff: {  	p0 =	sne.s32 s0, $0x0;
	s0 =	rddreg [dreg:$0x3]  }
0x300: {  	s0 =	sadd.s32 @!p0 $0x100000, s0  }
0x301: {  	[sflag:s0] =	ssyncadd.tile.s32 @!p0 $0x1;
	_ =	shalt  }
.Lfunc_end2:
_tile_overlayer_lowered:
.L_overlay_start_2:
0x302: {  	(tag) =	ssettag $0x2  }
0x303: {  	s0 =	rddreg [dreg:$0x0];
	s2 =	stileid.u32  }
0x304: {  	s1 =	rddreg [dreg:$0x1];
	p0 =	sne.s32 s2, $0x0  }
0x305: {  	s3 =	rddreg [dreg:$0x2];
	[bflag:$0x3] =	sbarrier.arrive $0xFFFF;
	s2 =	simm.s32 @!p0 $0x1C05  }
0x306: {  	[timem:s3], [sflag:s2] =	dma.local @!p0 [hbm:s0], s1  }
0x307: {  	s0 =	simm.s32 @!p0 $0x5  }
0x308: {  	_ =	swait.ge @!p0 [sflag:s0], s1  }
0x309: {  	s1 =	ssub.s32 @!p0 $0x0, s1;
	[sflag:s0] =	ssyncset.done @!p0 $0x0  }
0x30a: {  	[sflag:s0] =	ssyncadd.s32 @!p0 s1  }
0x30b: {  	[bflag:$0x3] =	sbarrier.arrive $0xFFFF  }
0x30c: {  	_ =	shalt  }

</sc_bundles>
